<compile_context>
chip_gen: v7x
topology: tpu7x:2x2x1
jax: 0.10.2.dev20260603
libtpu: 0.0.44.dev20260713+nightly
codegen_flags: <defaults>
</compile_context>

<pallas_src>
import jax
import jax.numpy as jnp
from jax import lax
from jax.experimental import pallas as pl
from jax.experimental.pallas import tpu as pltpu
from jax.experimental.pallas import tpu_sc as plsc

N_LM = 20000
N_OUT = 1024
LANES = 16
N_TILES = 16

VREGS_MAIN = 78
CHUNK = VREGS_MAIN * LANES
TAIL_BASE = 16 * CHUNK
SLICE = N_OUT // N_TILES
IDX_ROWS = 10


def _body(xs_hbm, ys_hbm, ew_hbm, out_hbm, xs_v, ys_v, idx_v, vals_v,
          cnt_v, ew_v, out_v, shared, sem):
    sid = lax.axis_index("s")
    gbase = sid * SLICE

    zeros = jnp.zeros((LANES,), jnp.float32)
    ones = jnp.ones((LANES,), jnp.float32)

    copies = [
        pltpu.async_copy(xs_hbm.at[pl.ds(sid * CHUNK, CHUNK)],
                         xs_v.at[pl.ds(0, CHUNK)], sem),
        pltpu.async_copy(ys_hbm.at[pl.ds(sid * CHUNK, CHUNK)],
                         ys_v.at[pl.ds(0, CHUNK)], sem),
        pltpu.async_copy(ew_hbm.at[pl.ds(gbase, SLICE)], ew_v, sem),
    ]

    toff = TAIL_BASE + jnp.where(sid < 2, sid, 0) * LANES
    copies += [
        pltpu.async_copy(xs_hbm.at[pl.ds(toff, LANES)],
                         xs_v.at[pl.ds(CHUNK, LANES)], sem),
        pltpu.async_copy(ys_hbm.at[pl.ds(toff, LANES)],
                         ys_v.at[pl.ds(CHUNK, LANES)], sem),
    ]

    for u in range(128 // LANES):
        vals_v[pl.ds(u * LANES, LANES)] = ones
    for u in range(SLICE // LANES):
        cnt_v[pl.ds(u * LANES, LANES)] = zeros
    pltpu.sync_copy(cnt_v, shared.at[pl.ds(gbase, SLICE)])

    plsc.subcore_barrier()

    for cp in copies:
        cp.wait()

    def cell_idx(off):
        xi = xs_v[pl.ds(off, LANES)].astype(jnp.int32)
        yi = ys_v[pl.ds(off, LANES)].astype(jnp.int32)
        return ((yi >> 4) << 5) | (xi >> 4)

    def mark_body(j, carry):
        for u in range(2):
            p = j * 2 + u
            idx_v[p // 8, pl.ds((p % 8) * LANES, LANES)] = \
                cell_idx(p * LANES)
        return carry
    lax.fori_loop(0, 20, mark_body, 0)
    for j in range(5):
        pltpu.async_copy(vals_v, shared.at[idx_v.at[j]], sem, add=True)
    lax.fori_loop(20, VREGS_MAIN // 2, mark_body, 0)

    pad = cell_idx(0)
    idx_v[IDX_ROWS - 1, pl.ds(96, LANES)] = pad
    idx_v[IDX_ROWS - 1, pl.ds(112, LANES)] = pad

    @pl.when(sid < 2)
    def _():
        idx_v[IDX_ROWS - 1, pl.ds(96, LANES)] = cell_idx(CHUNK)

    for j in range(5, IDX_ROWS):
        pltpu.async_copy(vals_v, shared.at[idx_v.at[j]], sem, add=True)
    pltpu.make_async_copy(xs_hbm.at[pl.ds(0, IDX_ROWS * 128)],
                          xs_v.at[pl.ds(0, IDX_ROWS * 128)], sem).wait()
    plsc.subcore_barrier()

    pltpu.sync_copy(shared.at[pl.ds(gbase, SLICE)], cnt_v)
    for k in range(SLICE // LANES):
        s = pl.ds(k * LANES, LANES)
        out_v[s] = jnp.where(cnt_v[s] > 0.0, ew_v[s], ones)
    pltpu.sync_copy(out_v, out_hbm.at[pl.ds(gbase, SLICE)])


@jax.jit
def _region_attention(xs, ys, enhanced_weight):
    mesh = plsc.VectorSubcoreMesh(core_axis_name="c", subcore_axis_name="s",
                                  num_cores=1)
    return pl.kernel(
        _body,
        out_type=jax.ShapeDtypeStruct((N_OUT,), jnp.float32),
        mesh=mesh,
        compiler_params=pltpu.CompilerParams(needs_layout_passes=False),
        scratch_types=[
            pltpu.VMEM((IDX_ROWS * 128,), jnp.float32),
            pltpu.VMEM((CHUNK + LANES,), jnp.float32),
            pltpu.VMEM((IDX_ROWS, 128), jnp.int32),
            pltpu.VMEM((128,), jnp.float32),
            pltpu.VMEM((SLICE,), jnp.float32),
            pltpu.VMEM((SLICE,), jnp.float32),
            pltpu.VMEM((SLICE,), jnp.float32),
            pltpu.VMEM_SHARED((N_OUT,), jnp.float32),
            pltpu.SemaphoreType.DMA,
        ],
    )(xs, ys, enhanced_weight)


def kernel(landmarks, enhanced_weight):
    return _region_attention(landmarks[:, 0], landmarks[:, 1],
                             enhanced_weight)

# --- scband reference (transcript-rebuilt; emitter-appended) ---
"""Pipeline reference for scband-region-attention-44435731644833 (READ-ONLY COPY).

The authoritative reference and input builder live on the scoring server;
editing this copy changes nothing except your own understanding.
"""

import jax, jax.numpy as jnp
import numpy as np

IMAGE_H, IMAGE_W = 512, 512
PATCH = 16
GRID_R = IMAGE_H // PATCH
GRID_C = IMAGE_W // PATCH
N = GRID_R * GRID_C
PATCH_H = IMAGE_H / GRID_R
PATCH_W = IMAGE_W / GRID_C
DEFAULT_WEIGHT = 1.0
NUM_LANDMARKS = 20000


def setup_inputs(seed: int = 0) -> dict:
    key = jax.random.key(seed)
    k1, k2 = jax.random.split(key)
    # landmarks are (x, y) pixel coordinates in [0, 512)
    landmarks = jax.random.randint(k1, (NUM_LANDMARKS, 2), 0, IMAGE_W).astype(jnp.float32)
    # learned parameter: enhanced_weight, initialized to ones as in nn.Parameter(torch.ones(N))
    enhanced_weight = jnp.ones((N,), dtype=jnp.float32)
    return {"landmarks": landmarks, "enhanced_weight": enhanced_weight}


def reference(landmarks, enhanced_weight):
    # r = min(int(y // patch_h), grid_rows - 1); c = min(int(x // patch_w), grid_cols - 1)
    x = landmarks[:, 0]
    y = landmarks[:, 1]
    r = jnp.minimum(jnp.floor(y / PATCH_H).astype(jnp.int32), GRID_R - 1)
    c = jnp.minimum(jnp.floor(x / PATCH_W).astype(jnp.int32), GRID_C - 1)
    # scatter-overwrite: mask[r, c] = 1.0 for every landmark
    mask = jnp.zeros((GRID_R, GRID_C), dtype=jnp.float32).at[r, c].set(1.0)
    mask_flat = mask.reshape(-1)
    weights = DEFAULT_WEIGHT + (enhanced_weight - DEFAULT_WEIGHT) * mask_flat
    return weights

if __name__ == "__main__":
    import jax
    _d = setup_inputs()
    print(jax.jit(kernel)(*tuple(_d.values())))

</pallas_src>

<mosaic_0001>
#map = affine_map<(d0, d1) -> (0)>
module attributes {stable_mosaic.version = 14 : i64} {
  func.func @_body(%arg0: i32, %arg1: i32, %arg2: memref<20000xf32, #tpu.memory_space<hbm>>, %arg3: memref<20000xf32, #tpu.memory_space<hbm>>, %arg4: memref<1024xf32, #tpu.memory_space<hbm>>, %arg5: memref<1024xf32, #tpu.memory_space<hbm>>, %arg6: memref<1280xf32, #tpu.memory_space<vmem>>, %arg7: memref<1264xf32, #tpu.memory_space<vmem>>, %arg8: memref<10x128xi32, #tpu.memory_space<vmem>>, %arg9: memref<128xf32, #tpu.memory_space<vmem>>, %arg10: memref<64xf32, #tpu.memory_space<vmem>>, %arg11: memref<64xf32, #tpu.memory_space<vmem>>, %arg12: memref<64xf32, #tpu.memory_space<vmem>>, %arg13: memref<1024xf32, #tpu.memory_space<vmem_shared>>, %arg14: memref<!tpu.dma_semaphore, #tpu.memory_space<semaphore_mem>>) attributes {dimension_semantics = [#tpu.dimension_semantics<core_parallel>, #tpu.dimension_semantics<subcore_parallel>], iteration_bounds = array<i64: 1, 16>, scalar_prefetch = 0 : i64, scratch_operands = 9 : i64, tpu.core_type = #tpu.core_type<sc_vector_subcore>, window_params = [{transform_indices = #map}, {transform_indices = #map}, {transform_indices = #map}, {transform_indices = #map}]} {
    %mul3A = arith.constant 64 : i32
    %mul3A_0 = arith.muli %arg1, %mul3A : i32
    %broadcast_in_dim3A = arith.constant 0.000000e+00 : f32
    %broadcast_in_dim3A_1 = vector.broadcast %broadcast_in_dim3A : f32 to vector<16xf32>
    %broadcast_in_dim3A_2 = arith.constant 1.000000e+00 : f32
    %broadcast_in_dim3A_3 = vector.broadcast %broadcast_in_dim3A_2 : f32 to vector<16xf32>
    %mul3A_4 = arith.constant 1248 : i32
    %mul3A_5 = arith.muli %arg1, %mul3A_4 : i32
    %dma_start3A = arith.constant 0 : i32
    %dma_start3A_6 = tpu.memref_slice %arg6[%dma_start3A] : memref<1280xf32, #tpu.memory_space<vmem>> -> memref<1248xf32, #tpu.memory_space<vmem>>
    %dma_start3A_7 = tpu.memref_slice %arg2[%mul3A_5] : memref<20000xf32, #tpu.memory_space<hbm>> -> memref<1248xf32, #tpu.memory_space<hbm>>
    %dma_start3A_8 = arith.constant 0 : i32
    %dma_start3A_9 = tpu.memref_slice %arg6[%dma_start3A_8] : memref<1280xf32, #tpu.memory_space<vmem>> -> memref<1248xf32, #tpu.memory_space<vmem>>
    %dma_start3A_10 = tpu.memref_slice %arg2[%mul3A_5] : memref<20000xf32, #tpu.memory_space<hbm>> -> memref<1248xf32, #tpu.memory_space<hbm>>
    tpu.enqueue_dma source(%dma_start3A_10 : memref<1248xf32, #tpu.memory_space<hbm>>) target(%dma_start3A_9 : memref<1248xf32, #tpu.memory_space<vmem>>) target_semaphore(%arg14 : memref<!tpu.dma_semaphore, #tpu.memory_space<semaphore_mem>>)
    %mul3A_11 = arith.constant 1248 : i32
    %mul3A_12 = arith.muli %arg1, %mul3A_11 : i32
    %dma_start3A_13 = arith.constant 0 : i32
    %dma_start3A_14 = tpu.memref_slice %arg7[%dma_start3A_13] : memref<1264xf32, #tpu.memory_space<vmem>> -> memref<1248xf32, #tpu.memory_space<vmem>>
    %dma_start3A_15 = tpu.memref_slice %arg3[%mul3A_12] : memref<20000xf32, #tpu.memory_space<hbm>> -> memref<1248xf32, #tpu.memory_space<hbm>>
    %dma_start3A_16 = arith.constant 0 : i32
    %dma_start3A_17 = tpu.memref_slice %arg7[%dma_start3A_16] : memref<1264xf32, #tpu.memory_space<vmem>> -> memref<1248xf32, #tpu.memory_space<vmem>>
    %dma_start3A_18 = tpu.memref_slice %arg3[%mul3A_12] : memref<20000xf32, #tpu.memory_space<hbm>> -> memref<1248xf32, #tpu.memory_space<hbm>>
    tpu.enqueue_dma source(%dma_start3A_18 : memref<1248xf32, #tpu.memory_space<hbm>>) target(%dma_start3A_17 : memref<1248xf32, #tpu.memory_space<vmem>>) target_semaphore(%arg14 : memref<!tpu.dma_semaphore, #tpu.memory_space<semaphore_mem>>)
    %dma_start3A_19 = tpu.memref_slice %arg4[%mul3A_0] : memref<1024xf32, #tpu.memory_space<hbm>> -> memref<64xf32, #tpu.memory_space<hbm>>
    %dma_start3A_20 = tpu.memref_slice %arg4[%mul3A_0] : memref<1024xf32, #tpu.memory_space<hbm>> -> memref<64xf32, #tpu.memory_space<hbm>>
    tpu.enqueue_dma source(%dma_start3A_20 : memref<64xf32, #tpu.memory_space<hbm>>) target(%arg11 : memref<64xf32, #tpu.memory_space<vmem>>) target_semaphore(%arg14 : memref<!tpu.dma_semaphore, #tpu.memory_space<semaphore_mem>>)
    %lt3A = arith.constant 2 : i32
    %lt3A_21 = arith.cmpi slt, %arg1, %lt3A : i32
    %jit3A = arith.constant 0 : i32
    %select_n3A = arith.select %lt3A_21, %arg1, %jit3A : i32
    %mul3A_22 = arith.constant 16 : i32
    %mul3A_23 = arith.muli %select_n3A, %mul3A_22 : i32
    %add3A = arith.constant 19968 : i32
    %add3A_24 = arith.addi %add3A, %mul3A_23 : i32
    %dma_start3A_25 = arith.constant 1248 : i32
    %dma_start3A_26 = tpu.memref_slice %arg6[%dma_start3A_25] : memref<1280xf32, #tpu.memory_space<vmem>> -> memref<16xf32, #tpu.memory_space<vmem>>
    %dma_start3A_27 = tpu.memref_slice %arg2[%add3A_24] : memref<20000xf32, #tpu.memory_space<hbm>> -> memref<16xf32, #tpu.memory_space<hbm>>
    %dma_start3A_28 = arith.constant 1248 : i32
    %dma_start3A_29 = tpu.memref_slice %arg6[%dma_start3A_28] : memref<1280xf32, #tpu.memory_space<vmem>> -> memref<16xf32, #tpu.memory_space<vmem>>
    %dma_start3A_30 = tpu.memref_slice %arg2[%add3A_24] : memref<20000xf32, #tpu.memory_space<hbm>> -> memref<16xf32, #tpu.memory_space<hbm>>
    tpu.enqueue_dma source(%dma_start3A_30 : memref<16xf32, #tpu.memory_space<hbm>>) target(%dma_start3A_29 : memref<16xf32, #tpu.memory_space<vmem>>) target_semaphore(%arg14 : memref<!tpu.dma_semaphore, #tpu.memory_space<semaphore_mem>>)
    %dma_start3A_31 = arith.constant 1248 : i32
    %dma_start3A_32 = tpu.memref_slice %arg7[%dma_start3A_31] : memref<1264xf32, #tpu.memory_space<vmem>> -> memref<16xf32, #tpu.memory_space<vmem>>
    %dma_start3A_33 = tpu.memref_slice %arg3[%add3A_24] : memref<20000xf32, #tpu.memory_space<hbm>> -> memref<16xf32, #tpu.memory_space<hbm>>
    %dma_start3A_34 = arith.constant 1248 : i32
    %dma_start3A_35 = tpu.memref_slice %arg7[%dma_start3A_34] : memref<1264xf32, #tpu.memory_space<vmem>> -> memref<16xf32, #tpu.memory_space<vmem>>
    %dma_start3A_36 = tpu.memref_slice %arg3[%add3A_24] : memref<20000xf32, #tpu.memory_space<hbm>> -> memref<16xf32, #tpu.memory_space<hbm>>
    tpu.enqueue_dma source(%dma_start3A_36 : memref<16xf32, #tpu.memory_space<hbm>>) target(%dma_start3A_35 : memref<16xf32, #tpu.memory_space<vmem>>) target_semaphore(%arg14 : memref<!tpu.dma_semaphore, #tpu.memory_space<semaphore_mem>>)
    %swap3A = arith.constant 0 : index
    %swap3A_37 = tpu.vector_load %arg9[%swap3A] {strides = array<i32>} : memref<128xf32, #tpu.memory_space<vmem>>, vector<16xf32>,
    tpu.vector_store %arg9[%swap3A], %broadcast_in_dim3A_3 {strides = array<i32>} : memref<128xf32, #tpu.memory_space<vmem>>, vector<16xf32>,
    %swap3A_38 = arith.constant 16 : index
    %swap3A_39 = tpu.vector_load %arg9[%swap3A_38] {strides = array<i32>} : memref<128xf32, #tpu.memory_space<vmem>>, vector<16xf32>,
    tpu.vector_store %arg9[%swap3A_38], %broadcast_in_dim3A_3 {strides = array<i32>} : memref<128xf32, #tpu.memory_space<vmem>>, vector<16xf32>,
    %swap3A_40 = arith.constant 32 : index
    %swap3A_41 = tpu.vector_load %arg9[%swap3A_40] {strides = array<i32>} : memref<128xf32, #tpu.memory_space<vmem>>, vector<16xf32>,
    tpu.vector_store %arg9[%swap3A_40], %broadcast_in_dim3A_3 {strides = array<i32>} : memref<128xf32, #tpu.memory_space<vmem>>, vector<16xf32>,
    %swap3A_42 = arith.constant 48 : index
    %swap3A_43 = tpu.vector_load %arg9[%swap3A_42] {strides = array<i32>} : memref<128xf32, #tpu.memory_space<vmem>>, vector<16xf32>,
    tpu.vector_store %arg9[%swap3A_42], %broadcast_in_dim3A_3 {strides = array<i32>} : memref<128xf32, #tpu.memory_space<vmem>>, vector<16xf32>,
    %swap3A_44 = arith.constant 64 : index
    %swap3A_45 = tpu.vector_load %arg9[%swap3A_44] {strides = array<i32>} : memref<128xf32, #tpu.memory_space<vmem>>, vector<16xf32>,
    tpu.vector_store %arg9[%swap3A_44], %broadcast_in_dim3A_3 {strides = array<i32>} : memref<128xf32, #tpu.memory_space<vmem>>, vector<16xf32>,
    %swap3A_46 = arith.constant 80 : index
    %swap3A_47 = tpu.vector_load %arg9[%swap3A_46] {strides = array<i32>} : memref<128xf32, #tpu.memory_space<vmem>>, vector<16xf32>,
    tpu.vector_store %arg9[%swap3A_46], %broadcast_in_dim3A_3 {strides = array<i32>} : memref<128xf32, #tpu.memory_space<vmem>>, vector<16xf32>,
    %swap3A_48 = arith.constant 96 : index
    %swap3A_49 = tpu.vector_load %arg9[%swap3A_48] {strides = array<i32>} : memref<128xf32, #tpu.memory_space<vmem>>, vector<16xf32>,
    tpu.vector_store %arg9[%swap3A_48], %broadcast_in_dim3A_3 {strides = array<i32>} : memref<128xf32, #tpu.memory_space<vmem>>, vector<16xf32>,
    %swap3A_50 = arith.constant 112 : index
    %swap3A_51 = tpu.vector_load %arg9[%swap3A_50] {strides = array<i32>} : memref<128xf32, #tpu.memory_space<vmem>>, vector<16xf32>,
    tpu.vector_store %arg9[%swap3A_50], %broadcast_in_dim3A_3 {strides = array<i32>} : memref<128xf32, #tpu.memory_space<vmem>>, vector<16xf32>,
    %swap3A_52 = arith.constant 0 : index
    %swap3A_53 = tpu.vector_load %arg10[%swap3A_52] {strides = array<i32>} : memref<64xf32, #tpu.memory_space<vmem>>, vector<16xf32>,
    tpu.vector_store %arg10[%swap3A_52], %broadcast_in_dim3A_1 {strides = array<i32>} : memref<64xf32, #tpu.memory_space<vmem>>, vector<16xf32>,
    %swap3A_54 = arith.constant 16 : index
    %swap3A_55 = tpu.vector_load %arg10[%swap3A_54] {strides = array<i32>} : memref<64xf32, #tpu.memory_space<vmem>>, vector<16xf32>,
    tpu.vector_store %arg10[%swap3A_54], %broadcast_in_dim3A_1 {strides = array<i32>} : memref<64xf32, #tpu.memory_space<vmem>>, vector<16xf32>,
    %swap3A_56 = arith.constant 32 : index
    %swap3A_57 = tpu.vector_load %arg10[%swap3A_56] {strides = array<i32>} : memref<64xf32, #tpu.memory_space<vmem>>, vector<16xf32>,
    tpu.vector_store %arg10[%swap3A_56], %broadcast_in_dim3A_1 {strides = array<i32>} : memref<64xf32, #tpu.memory_space<vmem>>, vector<16xf32>,
    %swap3A_58 = arith.constant 48 : index
    %swap3A_59 = tpu.vector_load %arg10[%swap3A_58] {strides = array<i32>} : memref<64xf32, #tpu.memory_space<vmem>>, vector<16xf32>,
    tpu.vector_store %arg10[%swap3A_58], %broadcast_in_dim3A_1 {strides = array<i32>} : memref<64xf32, #tpu.memory_space<vmem>>, vector<16xf32>,
    "tpu.region"() ({
      %run_scoped3A = tpu.sem_alloc : memref<!tpu.dma_semaphore, #tpu.memory_space<semaphore_mem>>
      %dma_start3A_227 = tpu.memref_slice %arg13[%mul3A_0] : memref<1024xf32, #tpu.memory_space<vmem_shared>> -> memref<64xf32, #tpu.memory_space<vmem_shared>>
      %dma_start3A_228 = tpu.memref_slice %arg13[%mul3A_0] : memref<1024xf32, #tpu.memory_space<vmem_shared>> -> memref<64xf32, #tpu.memory_space<vmem_shared>>
      tpu.enqueue_dma source(%arg10 : memref<64xf32, #tpu.memory_space<vmem>>) target(%dma_start3A_228 : memref<64xf32, #tpu.memory_space<vmem_shared>>) target_semaphore(%run_scoped3A : memref<!tpu.dma_semaphore, #tpu.memory_space<semaphore_mem>>)
      %dma_wait3A_229 = tpu.memref_slice %arg13[%mul3A_0] : memref<1024xf32, #tpu.memory_space<vmem_shared>> -> memref<64xf32, #tpu.memory_space<vmem_shared>>
      %dma_wait3A_230 = tpu.memref_slice %arg13[%mul3A_0] : memref<1024xf32, #tpu.memory_space<vmem_shared>> -> memref<64xf32, #tpu.memory_space<vmem_shared>>
      tpu.wait_dma2 semaphore(%run_scoped3A : memref<!tpu.dma_semaphore, #tpu.memory_space<semaphore_mem>>) src(%arg10 : memref<64xf32, #tpu.memory_space<vmem>>) dst(%dma_wait3A_230 : memref<64xf32, #tpu.memory_space<vmem_shared>>)
      tpu.yield
    }) : () -> ()
    %barrier3A = arith.constant 0 : index
    tpu.barrier barrier_id(%barrier3A)
    %dma_wait3A = arith.constant 0 : i32
    %dma_wait3A_60 = tpu.memref_slice %arg6[%dma_wait3A] : memref<1280xf32, #tpu.memory_space<vmem>> -> memref<1248xf32, #tpu.memory_space<vmem>>
    %dma_wait3A_61 = tpu.memref_slice %arg2[%mul3A_5] : memref<20000xf32, #tpu.memory_space<hbm>> -> memref<1248xf32, #tpu.memory_space<hbm>>
    %dma_wait3A_62 = arith.constant 0 : i32
    %dma_wait3A_63 = tpu.memref_slice %arg6[%dma_wait3A_62] : memref<1280xf32, #tpu.memory_space<vmem>> -> memref<1248xf32, #tpu.memory_space<vmem>>
    %dma_wait3A_64 = tpu.memref_slice %arg2[%mul3A_5] : memref<20000xf32, #tpu.memory_space<hbm>> -> memref<1248xf32, #tpu.memory_space<hbm>>
    tpu.wait_dma2 semaphore(%arg14 : memref<!tpu.dma_semaphore, #tpu.memory_space<semaphore_mem>>) src(%dma_wait3A_64 : memref<1248xf32, #tpu.memory_space<hbm>>) dst(%dma_wait3A_63 : memref<1248xf32, #tpu.memory_space<vmem>>)
    %dma_wait3A_65 = arith.constant 0 : i32
    %dma_wait3A_66 = tpu.memref_slice %arg7[%dma_wait3A_65] : memref<1264xf32, #tpu.memory_space<vmem>> -> memref<1248xf32, #tpu.memory_space<vmem>>
    %dma_wait3A_67 = tpu.memref_slice %arg3[%mul3A_12] : memref<20000xf32, #tpu.memory_space<hbm>> -> memref<1248xf32, #tpu.memory_space<hbm>>
    %dma_wait3A_68 = arith.constant 0 : i32
    %dma_wait3A_69 = tpu.memref_slice %arg7[%dma_wait3A_68] : memref<1264xf32, #tpu.memory_space<vmem>> -> memref<1248xf32, #tpu.memory_space<vmem>>
    %dma_wait3A_70 = tpu.memref_slice %arg3[%mul3A_12] : memref<20000xf32, #tpu.memory_space<hbm>> -> memref<1248xf32, #tpu.memory_space<hbm>>
    tpu.wait_dma2 semaphore(%arg14 : memref<!tpu.dma_semaphore, #tpu.memory_space<semaphore_mem>>) src(%dma_wait3A_70 : memref<1248xf32, #tpu.memory_space<hbm>>) dst(%dma_wait3A_69 : memref<1248xf32, #tpu.memory_space<vmem>>)
    %dma_wait3A_71 = tpu.memref_slice %arg4[%mul3A_0] : memref<1024xf32, #tpu.memory_space<hbm>> -> memref<64xf32, #tpu.memory_space<hbm>>
    %dma_wait3A_72 = tpu.memref_slice %arg4[%mul3A_0] : memref<1024xf32, #tpu.memory_space<hbm>> -> memref<64xf32, #tpu.memory_space<hbm>>
    tpu.wait_dma2 semaphore(%arg14 : memref<!tpu.dma_semaphore, #tpu.memory_space<semaphore_mem>>) src(%dma_wait3A_72 : memref<64xf32, #tpu.memory_space<hbm>>) dst(%arg11 : memref<64xf32, #tpu.memory_space<vmem>>)
    %dma_wait3A_73 = arith.constant 1248 : i32
    %dma_wait3A_74 = tpu.memref_slice %arg6[%dma_wait3A_73] : memref<1280xf32, #tpu.memory_space<vmem>> -> memref<16xf32, #tpu.memory_space<vmem>>
    %dma_wait3A_75 = tpu.memref_slice %arg2[%add3A_24] : memref<20000xf32, #tpu.memory_space<hbm>> -> memref<16xf32, #tpu.memory_space<hbm>>
    %dma_wait3A_76 = arith.constant 1248 : i32
    %dma_wait3A_77 = tpu.memref_slice %arg6[%dma_wait3A_76] : memref<1280xf32, #tpu.memory_space<vmem>> -> memref<16xf32, #tpu.memory_space<vmem>>
    %dma_wait3A_78 = tpu.memref_slice %arg2[%add3A_24] : memref<20000xf32, #tpu.memory_space<hbm>> -> memref<16xf32, #tpu.memory_space<hbm>>
    tpu.wait_dma2 semaphore(%arg14 : memref<!tpu.dma_semaphore, #tpu.memory_space<semaphore_mem>>) src(%dma_wait3A_78 : memref<16xf32, #tpu.memory_space<hbm>>) dst(%dma_wait3A_77 : memref<16xf32, #tpu.memory_space<vmem>>)
    %dma_wait3A_79 = arith.constant 1248 : i32
    %dma_wait3A_80 = tpu.memref_slice %arg7[%dma_wait3A_79] : memref<1264xf32, #tpu.memory_space<vmem>> -> memref<16xf32, #tpu.memory_space<vmem>>
    %dma_wait3A_81 = tpu.memref_slice %arg3[%add3A_24] : memref<20000xf32, #tpu.memory_space<hbm>> -> memref<16xf32, #tpu.memory_space<hbm>>
    %dma_wait3A_82 = arith.constant 1248 : i32
    %dma_wait3A_83 = tpu.memref_slice %arg7[%dma_wait3A_82] : memref<1264xf32, #tpu.memory_space<vmem>> -> memref<16xf32, #tpu.memory_space<vmem>>
    %dma_wait3A_84 = tpu.memref_slice %arg3[%add3A_24] : memref<20000xf32, #tpu.memory_space<hbm>> -> memref<16xf32, #tpu.memory_space<hbm>>
    tpu.wait_dma2 semaphore(%arg14 : memref<!tpu.dma_semaphore, #tpu.memory_space<semaphore_mem>>) src(%dma_wait3A_84 : memref<16xf32, #tpu.memory_space<hbm>>) dst(%dma_wait3A_83 : memref<16xf32, #tpu.memory_space<vmem>>)
    %scan3A = arith.constant 0 : i32
    %scan3A_85 = arith.constant 0 : i32
    %scan3A_86 = arith.constant 20 : i32
    %scan3A_87 = arith.addi %scan3A_85, %scan3A_86 : i32
    %scan3A_88 = arith.constant 1 : i32
    scf.for %scan3A_227 = %scan3A_85 to %scan3A_87 step %scan3A_88  : i32 {
      %mul3A_228 = arith.constant 2 : i32
      %mul3A_229 = arith.muli %scan3A_227, %mul3A_228 : i32
      %add3A_230 = arith.constant 0 : i32
      %add3A_231 = arith.addi %mul3A_229, %add3A_230 : i32
      %mul3A_232 = arith.constant 16 : i32
      %mul3A_233 = arith.muli %add3A_231, %mul3A_232 : i32
      %get3A_234 = arith.index_cast %mul3A_233 : i32 to index
      %get3A_235 = tpu.vector_load %arg6[%get3A_234] {strides = array<i32>} : memref<1280xf32, #tpu.memory_space<vmem>>, vector<16xf32>,
      %convert_element_type3A_236 = arith.fptosi %get3A_235 : vector<16xf32> to vector<16xi32>
      %get3A_237 = arith.index_cast %mul3A_233 : i32 to index
      %get3A_238 = tpu.vector_load %arg7[%get3A_237] {strides = array<i32>} : memref<1264xf32, #tpu.memory_space<vmem>>, vector<16xf32>,
      %convert_element_type3A_239 = arith.fptosi %get3A_238 : vector<16xf32> to vector<16xi32>
      %shift_right_arithmetic3A_240 = arith.constant 4 : i32
      %shift_right_arithmetic3A_241 = vector.broadcast %shift_right_arithmetic3A_240 : i32 to vector<16xi32>
      %shift_right_arithmetic3A_242 = arith.shrsi %convert_element_type3A_239, %shift_right_arithmetic3A_241 : vector<16xi32>
      %shift_left3A_243 = arith.constant 5 : i32
      %shift_left3A_244 = vector.broadcast %shift_left3A_243 : i32 to vector<16xi32>
      %shift_left3A_245 = arith.shli %shift_right_arithmetic3A_242, %shift_left3A_244 : vector<16xi32>
      %shift_right_arithmetic3A_246 = arith.constant 4 : i32
      %shift_right_arithmetic3A_247 = vector.broadcast %shift_right_arithmetic3A_246 : i32 to vector<16xi32>
      %shift_right_arithmetic3A_248 = arith.shrsi %convert_element_type3A_236, %shift_right_arithmetic3A_247 : vector<16xi32>
      %or3A_249 = arith.ori %shift_left3A_245, %shift_right_arithmetic3A_248 : vector<16xi32>
      %jit3A_250 = arith.constant 8 : i32
      %div3A = arith.divsi %add3A_231, %jit3A_250 : i32
      %sign3A = arith.constant 0 : i32
      %sign3A_251 = arith.cmpi sgt, %add3A_231, %sign3A : i32
      %sign3A_252 = arith.extui %sign3A_251 : i1 to i32
      %sign3A_253 = arith.constant 0 : i32
      %sign3A_254 = arith.cmpi slt, %add3A_231, %sign3A_253 : i32
      %sign3A_255 = arith.extui %sign3A_254 : i1 to i32
      %sign3A_256 = arith.subi %sign3A_252, %sign3A_255 : i32
      %sign3A_257 = arith.constant 0 : i32
      %sign3A_258 = arith.cmpi sgt, %jit3A_250, %sign3A_257 : i32
      %sign3A_259 = arith.extui %sign3A_258 : i1 to i32
      %sign3A_260 = arith.constant 0 : i32
      %sign3A_261 = arith.cmpi slt, %jit3A_250, %sign3A_260 : i32
      %sign3A_262 = arith.extui %sign3A_261 : i1 to i32
      %sign3A_263 = arith.subi %sign3A_259, %sign3A_262 : i32
      %ne3A = arith.cmpi ne, %sign3A_256, %sign3A_263 : i32
      %rem3A = arith.remsi %add3A_231, %jit3A_250 : i32
      %ne3A_264 = arith.constant 0 : i32
      %ne3A_265 = arith.cmpi ne, %rem3A, %ne3A_264 : i32
      %and3A = arith.andi %ne3A, %ne3A_265 : i1
      %sub3A = arith.constant 1 : i32
      %sub3A_266 = arith.subi %div3A, %sub3A : i32
      %select_n3A_267 = arith.select %and3A, %sub3A_266, %div3A : i32
      %jit3A_268 = arith.constant 8 : i32
      %eq3A = arith.constant 0 : i32
      %eq3A_269 = arith.cmpi eq, %jit3A_268, %eq3A : i32
      %jit3A_270 = arith.constant 1 : i32
      %select_n3A_271 = arith.select %eq3A_269, %jit3A_270, %jit3A_268 : i32
      %rem3A_272 = arith.remsi %add3A_231, %select_n3A_271 : i32
      %ne3A_273 = arith.constant 0 : i32
      %ne3A_274 = arith.cmpi ne, %rem3A_272, %ne3A_273 : i32
      %lt3A_275 = arith.constant 0 : i32
      %lt3A_276 = arith.cmpi slt, %rem3A_272, %lt3A_275 : i32
      %lt3A_277 = arith.constant 0 : i32
      %lt3A_278 = arith.cmpi slt, %select_n3A_271, %lt3A_277 : i32
      %ne3A_279 = arith.xori %lt3A_276, %lt3A_278 : i1
      %and3A_280 = arith.andi %ne3A_279, %ne3A_274 : i1
      %add3A_281 = arith.addi %rem3A_272, %select_n3A_271 : i32
      %select_n3A_282 = arith.select %and3A_280, %add3A_281, %rem3A_272 : i32
      %mul3A_283 = arith.constant 16 : i32
      %mul3A_284 = arith.muli %select_n3A_282, %mul3A_283 : i32
      %swap3A_285 = arith.index_cast %select_n3A_267 : i32 to index
      %swap3A_286 = arith.index_cast %mul3A_284 : i32 to index
      %swap3A_287 = tpu.vector_load %arg8[%swap3A_285, %swap3A_286] {strides = array<i32>} : memref<10x128xi32, #tpu.memory_space<vmem>>, vector<16xi32>,
      tpu.vector_store %arg8[%swap3A_285, %swap3A_286], %or3A_249 {strides = array<i32>} : memref<10x128xi32, #tpu.memory_space<vmem>>, vector<16xi32>,
      %mul3A_288 = arith.constant 2 : i32
      %mul3A_289 = arith.muli %scan3A_227, %mul3A_288 : i32
      %add3A_290 = arith.constant 1 : i32
      %add3A_291 = arith.addi %mul3A_289, %add3A_290 : i32
      %mul3A_292 = arith.constant 16 : i32
      %mul3A_293 = arith.muli %add3A_291, %mul3A_292 : i32
      %get3A_294 = arith.index_cast %mul3A_293 : i32 to index
      %get3A_295 = tpu.vector_load %arg6[%get3A_294] {strides = array<i32>} : memref<1280xf32, #tpu.memory_space<vmem>>, vector<16xf32>,
      %convert_element_type3A_296 = arith.fptosi %get3A_295 : vector<16xf32> to vector<16xi32>
      %get3A_297 = arith.index_cast %mul3A_293 : i32 to index
      %get3A_298 = tpu.vector_load %arg7[%get3A_297] {strides = array<i32>} : memref<1264xf32, #tpu.memory_space<vmem>>, vector<16xf32>,
      %convert_element_type3A_299 = arith.fptosi %get3A_298 : vector<16xf32> to vector<16xi32>
      %shift_right_arithmetic3A_300 = arith.constant 4 : i32
      %shift_right_arithmetic3A_301 = vector.broadcast %shift_right_arithmetic3A_300 : i32 to vector<16xi32>
      %shift_right_arithmetic3A_302 = arith.shrsi %convert_element_type3A_299, %shift_right_arithmetic3A_301 : vector<16xi32>
      %shift_left3A_303 = arith.constant 5 : i32
      %shift_left3A_304 = vector.broadcast %shift_left3A_303 : i32 to vector<16xi32>
      %shift_left3A_305 = arith.shli %shift_right_arithmetic3A_302, %shift_left3A_304 : vector<16xi32>
      %shift_right_arithmetic3A_306 = arith.constant 4 : i32
      %shift_right_arithmetic3A_307 = vector.broadcast %shift_right_arithmetic3A_306 : i32 to vector<16xi32>
      %shift_right_arithmetic3A_308 = arith.shrsi %convert_element_type3A_296, %shift_right_arithmetic3A_307 : vector<16xi32>
      %or3A_309 = arith.ori %shift_left3A_305, %shift_right_arithmetic3A_308 : vector<16xi32>
      %jit3A_310 = arith.constant 8 : i32
      %div3A_311 = arith.divsi %add3A_291, %jit3A_310 : i32
      %sign3A_312 = arith.constant 0 : i32
      %sign3A_313 = arith.cmpi sgt, %add3A_291, %sign3A_312 : i32
      %sign3A_314 = arith.extui %sign3A_313 : i1 to i32
      %sign3A_315 = arith.constant 0 : i32
      %sign3A_316 = arith.cmpi slt, %add3A_291, %sign3A_315 : i32
      %sign3A_317 = arith.extui %sign3A_316 : i1 to i32
      %sign3A_318 = arith.subi %sign3A_314, %sign3A_317 : i32
      %sign3A_319 = arith.constant 0 : i32
      %sign3A_320 = arith.cmpi sgt, %jit3A_310, %sign3A_319 : i32
      %sign3A_321 = arith.extui %sign3A_320 : i1 to i32
      %sign3A_322 = arith.constant 0 : i32
      %sign3A_323 = arith.cmpi slt, %jit3A_310, %sign3A_322 : i32
      %sign3A_324 = arith.extui %sign3A_323 : i1 to i32
      %sign3A_325 = arith.subi %sign3A_321, %sign3A_324 : i32
      %ne3A_326 = arith.cmpi ne, %sign3A_318, %sign3A_325 : i32
      %rem3A_327 = arith.remsi %add3A_291, %jit3A_310 : i32
      %ne3A_328 = arith.constant 0 : i32
      %ne3A_329 = arith.cmpi ne, %rem3A_327, %ne3A_328 : i32
      %and3A_330 = arith.andi %ne3A_326, %ne3A_329 : i1
      %sub3A_331 = arith.constant 1 : i32
      %sub3A_332 = arith.subi %div3A_311, %sub3A_331 : i32
      %select_n3A_333 = arith.select %and3A_330, %sub3A_332, %div3A_311 : i32
      %jit3A_334 = arith.constant 8 : i32
      %eq3A_335 = arith.constant 0 : i32
      %eq3A_336 = arith.cmpi eq, %jit3A_334, %eq3A_335 : i32
      %jit3A_337 = arith.constant 1 : i32
      %select_n3A_338 = arith.select %eq3A_336, %jit3A_337, %jit3A_334 : i32
      %rem3A_339 = arith.remsi %add3A_291, %select_n3A_338 : i32
      %ne3A_340 = arith.constant 0 : i32
      %ne3A_341 = arith.cmpi ne, %rem3A_339, %ne3A_340 : i32
      %lt3A_342 = arith.constant 0 : i32
      %lt3A_343 = arith.cmpi slt, %rem3A_339, %lt3A_342 : i32
      %lt3A_344 = arith.constant 0 : i32
      %lt3A_345 = arith.cmpi slt, %select_n3A_338, %lt3A_344 : i32
      %ne3A_346 = arith.xori %lt3A_343, %lt3A_345 : i1
      %and3A_347 = arith.andi %ne3A_346, %ne3A_341 : i1
      %add3A_348 = arith.addi %rem3A_339, %select_n3A_338 : i32
      %select_n3A_349 = arith.select %and3A_347, %add3A_348, %rem3A_339 : i32
      %mul3A_350 = arith.constant 16 : i32
      %mul3A_351 = arith.muli %select_n3A_349, %mul3A_350 : i32
      %swap3A_352 = arith.index_cast %select_n3A_333 : i32 to index
      %swap3A_353 = arith.index_cast %mul3A_351 : i32 to index
      %swap3A_354 = tpu.vector_load %arg8[%swap3A_352, %swap3A_353] {strides = array<i32>} : memref<10x128xi32, #tpu.memory_space<vmem>>, vector<16xi32>,
      tpu.vector_store %arg8[%swap3A_352, %swap3A_353], %or3A_309 {strides = array<i32>} : memref<10x128xi32, #tpu.memory_space<vmem>>, vector<16xi32>,
    }
    %scan3A_89 = arith.constant 20 : i32
    %dma_start3A_90 = arith.constant 0 : i32
    %dma_start3A_91 = arith.constant 0 : i32
    %dma_start3A_92 = tpu.memref_slice %arg8[%dma_start3A_90, %dma_start3A_91] : memref<10x128xi32, #tpu.memory_space<vmem>> -> memref<1x128xi32, #tpu.memory_space<vmem>>
    %dma_start3A_93 = tpu.memref_squeeze %dma_start3A_92 : memref<1x128xi32, #tpu.memory_space<vmem>> -> memref<128xi32, #tpu.memory_space<vmem>>
    %dma_start3A_94 = arith.constant 0 : i32
    %dma_start3A_95 = tpu.memref_slice %arg13[%dma_start3A_94] : memref<1024xf32, #tpu.memory_space<vmem_shared>> -> memref<1024xf32, #tpu.memory_space<vmem_shared>>
    tpu.enqueue_indirect_dma source(%arg9 : memref<128xf32, #tpu.memory_space<vmem>>) target(%dma_start3A_95 : memref<1024xf32, #tpu.memory_space<vmem_shared>>) offsets(%dma_start3A_93 : memref<128xi32, #tpu.memory_space<vmem>>) semaphore(%arg14 : memref<!tpu.dma_semaphore, #tpu.memory_space<semaphore_mem>>) {add = true}
    %dma_start3A_96 = arith.constant 1 : i32
    %dma_start3A_97 = arith.constant 0 : i32
    %dma_start3A_98 = tpu.memref_slice %arg8[%dma_start3A_96, %dma_start3A_97] : memref<10x128xi32, #tpu.memory_space<vmem>> -> memref<1x128xi32, #tpu.memory_space<vmem>>
    %dma_start3A_99 = tpu.memref_squeeze %dma_start3A_98 : memref<1x128xi32, #tpu.memory_space<vmem>> -> memref<128xi32, #tpu.memory_space<vmem>>
    %dma_start3A_100 = arith.constant 0 : i32
    %dma_start3A_101 = tpu.memref_slice %arg13[%dma_start3A_100] : memref<1024xf32, #tpu.memory_space<vmem_shared>> -> memref<1024xf32, #tpu.memory_space<vmem_shared>>
    tpu.enqueue_indirect_dma source(%arg9 : memref<128xf32, #tpu.memory_space<vmem>>) target(%dma_start3A_101 : memref<1024xf32, #tpu.memory_space<vmem_shared>>) offsets(%dma_start3A_99 : memref<128xi32, #tpu.memory_space<vmem>>) semaphore(%arg14 : memref<!tpu.dma_semaphore, #tpu.memory_space<semaphore_mem>>) {add = true}
    %dma_start3A_102 = arith.constant 2 : i32
    %dma_start3A_103 = arith.constant 0 : i32
    %dma_start3A_104 = tpu.memref_slice %arg8[%dma_start3A_102, %dma_start3A_103] : memref<10x128xi32, #tpu.memory_space<vmem>> -> memref<1x128xi32, #tpu.memory_space<vmem>>
    %dma_start3A_105 = tpu.memref_squeeze %dma_start3A_104 : memref<1x128xi32, #tpu.memory_space<vmem>> -> memref<128xi32, #tpu.memory_space<vmem>>
    %dma_start3A_106 = arith.constant 0 : i32
    %dma_start3A_107 = tpu.memref_slice %arg13[%dma_start3A_106] : memref<1024xf32, #tpu.memory_space<vmem_shared>> -> memref<1024xf32, #tpu.memory_space<vmem_shared>>
    tpu.enqueue_indirect_dma source(%arg9 : memref<128xf32, #tpu.memory_space<vmem>>) target(%dma_start3A_107 : memref<1024xf32, #tpu.memory_space<vmem_shared>>) offsets(%dma_start3A_105 : memref<128xi32, #tpu.memory_space<vmem>>) semaphore(%arg14 : memref<!tpu.dma_semaphore, #tpu.memory_space<semaphore_mem>>) {add = true}
    %dma_start3A_108 = arith.constant 3 : i32
    %dma_start3A_109 = arith.constant 0 : i32
    %dma_start3A_110 = tpu.memref_slice %arg8[%dma_start3A_108, %dma_start3A_109] : memref<10x128xi32, #tpu.memory_space<vmem>> -> memref<1x128xi32, #tpu.memory_space<vmem>>
    %dma_start3A_111 = tpu.memref_squeeze %dma_start3A_110 : memref<1x128xi32, #tpu.memory_space<vmem>> -> memref<128xi32, #tpu.memory_space<vmem>>
    %dma_start3A_112 = arith.constant 0 : i32
    %dma_start3A_113 = tpu.memref_slice %arg13[%dma_start3A_112] : memref<1024xf32, #tpu.memory_space<vmem_shared>> -> memref<1024xf32, #tpu.memory_space<vmem_shared>>
    tpu.enqueue_indirect_dma source(%arg9 : memref<128xf32, #tpu.memory_space<vmem>>) target(%dma_start3A_113 : memref<1024xf32, #tpu.memory_space<vmem_shared>>) offsets(%dma_start3A_111 : memref<128xi32, #tpu.memory_space<vmem>>) semaphore(%arg14 : memref<!tpu.dma_semaphore, #tpu.memory_space<semaphore_mem>>) {add = true}
    %dma_start3A_114 = arith.constant 4 : i32
    %dma_start3A_115 = arith.constant 0 : i32
    %dma_start3A_116 = tpu.memref_slice %arg8[%dma_start3A_114, %dma_start3A_115] : memref<10x128xi32, #tpu.memory_space<vmem>> -> memref<1x128xi32, #tpu.memory_space<vmem>>
    %dma_start3A_117 = tpu.memref_squeeze %dma_start3A_116 : memref<1x128xi32, #tpu.memory_space<vmem>> -> memref<128xi32, #tpu.memory_space<vmem>>
    %dma_start3A_118 = arith.constant 0 : i32
    %dma_start3A_119 = tpu.memref_slice %arg13[%dma_start3A_118] : memref<1024xf32, #tpu.memory_space<vmem_shared>> -> memref<1024xf32, #tpu.memory_space<vmem_shared>>
    tpu.enqueue_indirect_dma source(%arg9 : memref<128xf32, #tpu.memory_space<vmem>>) target(%dma_start3A_119 : memref<1024xf32, #tpu.memory_space<vmem_shared>>) offsets(%dma_start3A_117 : memref<128xi32, #tpu.memory_space<vmem>>) semaphore(%arg14 : memref<!tpu.dma_semaphore, #tpu.memory_space<semaphore_mem>>) {add = true}
    %scan3A_120 = arith.constant 0 : i32
    %scan3A_121 = arith.constant 20 : i32
    %scan3A_122 = arith.constant 19 : i32
    %scan3A_123 = arith.addi %scan3A_121, %scan3A_122 : i32
    %scan3A_124 = arith.constant 1 : i32
    scf.for %scan3A_227 = %scan3A_121 to %scan3A_123 step %scan3A_124  : i32 {
      %mul3A_228 = arith.constant 2 : i32
      %mul3A_229 = arith.muli %scan3A_227, %mul3A_228 : i32
      %add3A_230 = arith.constant 0 : i32
      %add3A_231 = arith.addi %mul3A_229, %add3A_230 : i32
      %mul3A_232 = arith.constant 16 : i32
      %mul3A_233 = arith.muli %add3A_231, %mul3A_232 : i32
      %get3A_234 = arith.index_cast %mul3A_233 : i32 to index
      %get3A_235 = tpu.vector_load %arg6[%get3A_234] {strides = array<i32>} : memref<1280xf32, #tpu.memory_space<vmem>>, vector<16xf32>,
      %convert_element_type3A_236 = arith.fptosi %get3A_235 : vector<16xf32> to vector<16xi32>
      %get3A_237 = arith.index_cast %mul3A_233 : i32 to index
      %get3A_238 = tpu.vector_load %arg7[%get3A_237] {strides = array<i32>} : memref<1264xf32, #tpu.memory_space<vmem>>, vector<16xf32>,
      %convert_element_type3A_239 = arith.fptosi %get3A_238 : vector<16xf32> to vector<16xi32>
      %shift_right_arithmetic3A_240 = arith.constant 4 : i32
      %shift_right_arithmetic3A_241 = vector.broadcast %shift_right_arithmetic3A_240 : i32 to vector<16xi32>
      %shift_right_arithmetic3A_242 = arith.shrsi %convert_element_type3A_239, %shift_right_arithmetic3A_241 : vector<16xi32>
      %shift_left3A_243 = arith.constant 5 : i32
      %shift_left3A_244 = vector.broadcast %shift_left3A_243 : i32 to vector<16xi32>
      %shift_left3A_245 = arith.shli %shift_right_arithmetic3A_242, %shift_left3A_244 : vector<16xi32>
      %shift_right_arithmetic3A_246 = arith.constant 4 : i32
      %shift_right_arithmetic3A_247 = vector.broadcast %shift_right_arithmetic3A_246 : i32 to vector<16xi32>
      %shift_right_arithmetic3A_248 = arith.shrsi %convert_element_type3A_236, %shift_right_arithmetic3A_247 : vector<16xi32>
      %or3A_249 = arith.ori %shift_left3A_245, %shift_right_arithmetic3A_248 : vector<16xi32>
      %jit3A_250 = arith.constant 8 : i32
      %div3A = arith.divsi %add3A_231, %jit3A_250 : i32
      %sign3A = arith.constant 0 : i32
      %sign3A_251 = arith.cmpi sgt, %add3A_231, %sign3A : i32
      %sign3A_252 = arith.extui %sign3A_251 : i1 to i32
      %sign3A_253 = arith.constant 0 : i32
      %sign3A_254 = arith.cmpi slt, %add3A_231, %sign3A_253 : i32
      %sign3A_255 = arith.extui %sign3A_254 : i1 to i32
      %sign3A_256 = arith.subi %sign3A_252, %sign3A_255 : i32
      %sign3A_257 = arith.constant 0 : i32
      %sign3A_258 = arith.cmpi sgt, %jit3A_250, %sign3A_257 : i32
      %sign3A_259 = arith.extui %sign3A_258 : i1 to i32
      %sign3A_260 = arith.constant 0 : i32
      %sign3A_261 = arith.cmpi slt, %jit3A_250, %sign3A_260 : i32
      %sign3A_262 = arith.extui %sign3A_261 : i1 to i32
      %sign3A_263 = arith.subi %sign3A_259, %sign3A_262 : i32
      %ne3A = arith.cmpi ne, %sign3A_256, %sign3A_263 : i32
      %rem3A = arith.remsi %add3A_231, %jit3A_250 : i32
      %ne3A_264 = arith.constant 0 : i32
      %ne3A_265 = arith.cmpi ne, %rem3A, %ne3A_264 : i32
      %and3A = arith.andi %ne3A, %ne3A_265 : i1
      %sub3A = arith.constant 1 : i32
      %sub3A_266 = arith.subi %div3A, %sub3A : i32
      %select_n3A_267 = arith.select %and3A, %sub3A_266, %div3A : i32
      %jit3A_268 = arith.constant 8 : i32
      %eq3A = arith.constant 0 : i32
      %eq3A_269 = arith.cmpi eq, %jit3A_268, %eq3A : i32
      %jit3A_270 = arith.constant 1 : i32
      %select_n3A_271 = arith.select %eq3A_269, %jit3A_270, %jit3A_268 : i32
      %rem3A_272 = arith.remsi %add3A_231, %select_n3A_271 : i32
      %ne3A_273 = arith.constant 0 : i32
      %ne3A_274 = arith.cmpi ne, %rem3A_272, %ne3A_273 : i32
      %lt3A_275 = arith.constant 0 : i32
      %lt3A_276 = arith.cmpi slt, %rem3A_272, %lt3A_275 : i32
      %lt3A_277 = arith.constant 0 : i32
      %lt3A_278 = arith.cmpi slt, %select_n3A_271, %lt3A_277 : i32
      %ne3A_279 = arith.xori %lt3A_276, %lt3A_278 : i1
      %and3A_280 = arith.andi %ne3A_279, %ne3A_274 : i1
      %add3A_281 = arith.addi %rem3A_272, %select_n3A_271 : i32
      %select_n3A_282 = arith.select %and3A_280, %add3A_281, %rem3A_272 : i32
      %mul3A_283 = arith.constant 16 : i32
      %mul3A_284 = arith.muli %select_n3A_282, %mul3A_283 : i32
      %swap3A_285 = arith.index_cast %select_n3A_267 : i32 to index
      %swap3A_286 = arith.index_cast %mul3A_284 : i32 to index
      %swap3A_287 = tpu.vector_load %arg8[%swap3A_285, %swap3A_286] {strides = array<i32>} : memref<10x128xi32, #tpu.memory_space<vmem>>, vector<16xi32>,
      tpu.vector_store %arg8[%swap3A_285, %swap3A_286], %or3A_249 {strides = array<i32>} : memref<10x128xi32, #tpu.memory_space<vmem>>, vector<16xi32>,
      %mul3A_288 = arith.constant 2 : i32
      %mul3A_289 = arith.muli %scan3A_227, %mul3A_288 : i32
      %add3A_290 = arith.constant 1 : i32
      %add3A_291 = arith.addi %mul3A_289, %add3A_290 : i32
      %mul3A_292 = arith.constant 16 : i32
      %mul3A_293 = arith.muli %add3A_291, %mul3A_292 : i32
      %get3A_294 = arith.index_cast %mul3A_293 : i32 to index
      %get3A_295 = tpu.vector_load %arg6[%get3A_294] {strides = array<i32>} : memref<1280xf32, #tpu.memory_space<vmem>>, vector<16xf32>,
      %convert_element_type3A_296 = arith.fptosi %get3A_295 : vector<16xf32> to vector<16xi32>
      %get3A_297 = arith.index_cast %mul3A_293 : i32 to index
      %get3A_298 = tpu.vector_load %arg7[%get3A_297] {strides = array<i32>} : memref<1264xf32, #tpu.memory_space<vmem>>, vector<16xf32>,
      %convert_element_type3A_299 = arith.fptosi %get3A_298 : vector<16xf32> to vector<16xi32>
      %shift_right_arithmetic3A_300 = arith.constant 4 : i32
      %shift_right_arithmetic3A_301 = vector.broadcast %shift_right_arithmetic3A_300 : i32 to vector<16xi32>
      %shift_right_arithmetic3A_302 = arith.shrsi %convert_element_type3A_299, %shift_right_arithmetic3A_301 : vector<16xi32>
      %shift_left3A_303 = arith.constant 5 : i32
      %shift_left3A_304 = vector.broadcast %shift_left3A_303 : i32 to vector<16xi32>
      %shift_left3A_305 = arith.shli %shift_right_arithmetic3A_302, %shift_left3A_304 : vector<16xi32>
      %shift_right_arithmetic3A_306 = arith.constant 4 : i32
      %shift_right_arithmetic3A_307 = vector.broadcast %shift_right_arithmetic3A_306 : i32 to vector<16xi32>
      %shift_right_arithmetic3A_308 = arith.shrsi %convert_element_type3A_296, %shift_right_arithmetic3A_307 : vector<16xi32>
      %or3A_309 = arith.ori %shift_left3A_305, %shift_right_arithmetic3A_308 : vector<16xi32>
      %jit3A_310 = arith.constant 8 : i32
      %div3A_311 = arith.divsi %add3A_291, %jit3A_310 : i32
      %sign3A_312 = arith.constant 0 : i32
      %sign3A_313 = arith.cmpi sgt, %add3A_291, %sign3A_312 : i32
      %sign3A_314 = arith.extui %sign3A_313 : i1 to i32
      %sign3A_315 = arith.constant 0 : i32
      %sign3A_316 = arith.cmpi slt, %add3A_291, %sign3A_315 : i32
      %sign3A_317 = arith.extui %sign3A_316 : i1 to i32
      %sign3A_318 = arith.subi %sign3A_314, %sign3A_317 : i32
      %sign3A_319 = arith.constant 0 : i32
      %sign3A_320 = arith.cmpi sgt, %jit3A_310, %sign3A_319 : i32
      %sign3A_321 = arith.extui %sign3A_320 : i1 to i32
      %sign3A_322 = arith.constant 0 : i32
      %sign3A_323 = arith.cmpi slt, %jit3A_310, %sign3A_322 : i32
      %sign3A_324 = arith.extui %sign3A_323 : i1 to i32
      %sign3A_325 = arith.subi %sign3A_321, %sign3A_324 : i32
      %ne3A_326 = arith.cmpi ne, %sign3A_318, %sign3A_325 : i32
      %rem3A_327 = arith.remsi %add3A_291, %jit3A_310 : i32
      %ne3A_328 = arith.constant 0 : i32
      %ne3A_329 = arith.cmpi ne, %rem3A_327, %ne3A_328 : i32
      %and3A_330 = arith.andi %ne3A_326, %ne3A_329 : i1
      %sub3A_331 = arith.constant 1 : i32
      %sub3A_332 = arith.subi %div3A_311, %sub3A_331 : i32
      %select_n3A_333 = arith.select %and3A_330, %sub3A_332, %div3A_311 : i32
      %jit3A_334 = arith.constant 8 : i32
      %eq3A_335 = arith.constant 0 : i32
      %eq3A_336 = arith.cmpi eq, %jit3A_334, %eq3A_335 : i32
      %jit3A_337 = arith.constant 1 : i32
      %select_n3A_338 = arith.select %eq3A_336, %jit3A_337, %jit3A_334 : i32
      %rem3A_339 = arith.remsi %add3A_291, %select_n3A_338 : i32
      %ne3A_340 = arith.constant 0 : i32
      %ne3A_341 = arith.cmpi ne, %rem3A_339, %ne3A_340 : i32
      %lt3A_342 = arith.constant 0 : i32
      %lt3A_343 = arith.cmpi slt, %rem3A_339, %lt3A_342 : i32
      %lt3A_344 = arith.constant 0 : i32
      %lt3A_345 = arith.cmpi slt, %select_n3A_338, %lt3A_344 : i32
      %ne3A_346 = arith.xori %lt3A_343, %lt3A_345 : i1
      %and3A_347 = arith.andi %ne3A_346, %ne3A_341 : i1
      %add3A_348 = arith.addi %rem3A_339, %select_n3A_338 : i32
      %select_n3A_349 = arith.select %and3A_347, %add3A_348, %rem3A_339 : i32
      %mul3A_350 = arith.constant 16 : i32
      %mul3A_351 = arith.muli %select_n3A_349, %mul3A_350 : i32
      %swap3A_352 = arith.index_cast %select_n3A_333 : i32 to index
      %swap3A_353 = arith.index_cast %mul3A_351 : i32 to index
      %swap3A_354 = tpu.vector_load %arg8[%swap3A_352, %swap3A_353] {strides = array<i32>} : memref<10x128xi32, #tpu.memory_space<vmem>>, vector<16xi32>,
      tpu.vector_store %arg8[%swap3A_352, %swap3A_353], %or3A_309 {strides = array<i32>} : memref<10x128xi32, #tpu.memory_space<vmem>>, vector<16xi32>,
    }
    %scan3A_125 = arith.constant 19 : i32
    %get3A = arith.constant 0 : index
    %get3A_126 = tpu.vector_load %arg6[%get3A] {strides = array<i32>} : memref<1280xf32, #tpu.memory_space<vmem>>, vector<16xf32>,
    %convert_element_type3A = arith.fptosi %get3A_126 : vector<16xf32> to vector<16xi32>
    %get3A_127 = arith.constant 0 : index
    %get3A_128 = tpu.vector_load %arg7[%get3A_127] {strides = array<i32>} : memref<1264xf32, #tpu.memory_space<vmem>>, vector<16xf32>,
    %convert_element_type3A_129 = arith.fptosi %get3A_128 : vector<16xf32> to vector<16xi32>
    %shift_right_arithmetic3A = arith.constant 4 : i32
    %shift_right_arithmetic3A_130 = vector.broadcast %shift_right_arithmetic3A : i32 to vector<16xi32>
    %shift_right_arithmetic3A_131 = arith.shrsi %convert_element_type3A_129, %shift_right_arithmetic3A_130 : vector<16xi32>
    %shift_left3A = arith.constant 5 : i32
    %shift_left3A_132 = vector.broadcast %shift_left3A : i32 to vector<16xi32>
    %shift_left3A_133 = arith.shli %shift_right_arithmetic3A_131, %shift_left3A_132 : vector<16xi32>
    %shift_right_arithmetic3A_134 = arith.constant 4 : i32
    %shift_right_arithmetic3A_135 = vector.broadcast %shift_right_arithmetic3A_134 : i32 to vector<16xi32>
    %shift_right_arithmetic3A_136 = arith.shrsi %convert_element_type3A, %shift_right_arithmetic3A_135 : vector<16xi32>
    %or3A = arith.ori %shift_left3A_133, %shift_right_arithmetic3A_136 : vector<16xi32>
    %swap3A_137 = arith.constant 9 : i32
    %swap3A_138 = arith.index_cast %swap3A_137 : i32 to index
    %swap3A_139 = arith.constant 96 : index
    %swap3A_140 = tpu.vector_load %arg8[%swap3A_138, %swap3A_139] {strides = array<i32>} : memref<10x128xi32, #tpu.memory_space<vmem>>, vector<16xi32>,
    tpu.vector_store %arg8[%swap3A_138, %swap3A_139], %or3A {strides = array<i32>} : memref<10x128xi32, #tpu.memory_space<vmem>>, vector<16xi32>,
    %swap3A_141 = arith.constant 9 : i32
    %swap3A_142 = arith.index_cast %swap3A_141 : i32 to index
    %swap3A_143 = arith.constant 112 : index
    %swap3A_144 = tpu.vector_load %arg8[%swap3A_142, %swap3A_143] {strides = array<i32>} : memref<10x128xi32, #tpu.memory_space<vmem>>, vector<16xi32>,
    tpu.vector_store %arg8[%swap3A_142, %swap3A_143], %or3A {strides = array<i32>} : memref<10x128xi32, #tpu.memory_space<vmem>>, vector<16xi32>,
    %lt3A_145 = arith.constant 2 : i32
    %lt3A_146 = arith.cmpi slt, %arg1, %lt3A_145 : i32
    %convert_element_type3A_147 = arith.extui %lt3A_146 : i1 to i32
    %cond3A = arith.constant 0 : i32
    %cond3A_148 = arith.cmpi ne, %convert_element_type3A_147, %cond3A : i32
    scf.if %cond3A_148 {
      %get3A_227 = arith.constant 1248 : index
      %get3A_228 = tpu.vector_load %arg6[%get3A_227] {strides = array<i32>} : memref<1280xf32, #tpu.memory_space<vmem>>, vector<16xf32>,
      %convert_element_type3A_229 = arith.fptosi %get3A_228 : vector<16xf32> to vector<16xi32>
      %get3A_230 = arith.constant 1248 : index
      %get3A_231 = tpu.vector_load %arg7[%get3A_230] {strides = array<i32>} : memref<1264xf32, #tpu.memory_space<vmem>>, vector<16xf32>,
      %convert_element_type3A_232 = arith.fptosi %get3A_231 : vector<16xf32> to vector<16xi32>
      %shift_right_arithmetic3A_233 = arith.constant 4 : i32
      %shift_right_arithmetic3A_234 = vector.broadcast %shift_right_arithmetic3A_233 : i32 to vector<16xi32>
      %shift_right_arithmetic3A_235 = arith.shrsi %convert_element_type3A_232, %shift_right_arithmetic3A_234 : vector<16xi32>
      %shift_left3A_236 = arith.constant 5 : i32
      %shift_left3A_237 = vector.broadcast %shift_left3A_236 : i32 to vector<16xi32>
      %shift_left3A_238 = arith.shli %shift_right_arithmetic3A_235, %shift_left3A_237 : vector<16xi32>
      %shift_right_arithmetic3A_239 = arith.constant 4 : i32
      %shift_right_arithmetic3A_240 = vector.broadcast %shift_right_arithmetic3A_239 : i32 to vector<16xi32>
      %shift_right_arithmetic3A_241 = arith.shrsi %convert_element_type3A_229, %shift_right_arithmetic3A_240 : vector<16xi32>
      %or3A_242 = arith.ori %shift_left3A_238, %shift_right_arithmetic3A_241 : vector<16xi32>
      %swap3A_243 = arith.constant 9 : i32
      %swap3A_244 = arith.index_cast %swap3A_243 : i32 to index
      %swap3A_245 = arith.constant 96 : index
      %swap3A_246 = tpu.vector_load %arg8[%swap3A_244, %swap3A_245] {strides = array<i32>} : memref<10x128xi32, #tpu.memory_space<vmem>>, vector<16xi32>,
      tpu.vector_store %arg8[%swap3A_244, %swap3A_245], %or3A_242 {strides = array<i32>} : memref<10x128xi32, #tpu.memory_space<vmem>>, vector<16xi32>,
    } else {
    }
    %dma_start3A_149 = arith.constant 5 : i32
    %dma_start3A_150 = arith.constant 0 : i32
    %dma_start3A_151 = tpu.memref_slice %arg8[%dma_start3A_149, %dma_start3A_150] : memref<10x128xi32, #tpu.memory_space<vmem>> -> memref<1x128xi32, #tpu.memory_space<vmem>>
    %dma_start3A_152 = tpu.memref_squeeze %dma_start3A_151 : memref<1x128xi32, #tpu.memory_space<vmem>> -> memref<128xi32, #tpu.memory_space<vmem>>
    %dma_start3A_153 = arith.constant 0 : i32
    %dma_start3A_154 = tpu.memref_slice %arg13[%dma_start3A_153] : memref<1024xf32, #tpu.memory_space<vmem_shared>> -> memref<1024xf32, #tpu.memory_space<vmem_shared>>
    tpu.enqueue_indirect_dma source(%arg9 : memref<128xf32, #tpu.memory_space<vmem>>) target(%dma_start3A_154 : memref<1024xf32, #tpu.memory_space<vmem_shared>>) offsets(%dma_start3A_152 : memref<128xi32, #tpu.memory_space<vmem>>) semaphore(%arg14 : memref<!tpu.dma_semaphore, #tpu.memory_space<semaphore_mem>>) {add = true}
    %dma_start3A_155 = arith.constant 6 : i32
    %dma_start3A_156 = arith.constant 0 : i32
    %dma_start3A_157 = tpu.memref_slice %arg8[%dma_start3A_155, %dma_start3A_156] : memref<10x128xi32, #tpu.memory_space<vmem>> -> memref<1x128xi32, #tpu.memory_space<vmem>>
    %dma_start3A_158 = tpu.memref_squeeze %dma_start3A_157 : memref<1x128xi32, #tpu.memory_space<vmem>> -> memref<128xi32, #tpu.memory_space<vmem>>
    %dma_start3A_159 = arith.constant 0 : i32
    %dma_start3A_160 = tpu.memref_slice %arg13[%dma_start3A_159] : memref<1024xf32, #tpu.memory_space<vmem_shared>> -> memref<1024xf32, #tpu.memory_space<vmem_shared>>
    tpu.enqueue_indirect_dma source(%arg9 : memref<128xf32, #tpu.memory_space<vmem>>) target(%dma_start3A_160 : memref<1024xf32, #tpu.memory_space<vmem_shared>>) offsets(%dma_start3A_158 : memref<128xi32, #tpu.memory_space<vmem>>) semaphore(%arg14 : memref<!tpu.dma_semaphore, #tpu.memory_space<semaphore_mem>>) {add = true}
    %dma_start3A_161 = arith.constant 7 : i32
    %dma_start3A_162 = arith.constant 0 : i32
    %dma_start3A_163 = tpu.memref_slice %arg8[%dma_start3A_161, %dma_start3A_162] : memref<10x128xi32, #tpu.memory_space<vmem>> -> memref<1x128xi32, #tpu.memory_space<vmem>>
    %dma_start3A_164 = tpu.memref_squeeze %dma_start3A_163 : memref<1x128xi32, #tpu.memory_space<vmem>> -> memref<128xi32, #tpu.memory_space<vmem>>
    %dma_start3A_165 = arith.constant 0 : i32
    %dma_start3A_166 = tpu.memref_slice %arg13[%dma_start3A_165] : memref<1024xf32, #tpu.memory_space<vmem_shared>> -> memref<1024xf32, #tpu.memory_space<vmem_shared>>
    tpu.enqueue_indirect_dma source(%arg9 : memref<128xf32, #tpu.memory_space<vmem>>) target(%dma_start3A_166 : memref<1024xf32, #tpu.memory_space<vmem_shared>>) offsets(%dma_start3A_164 : memref<128xi32, #tpu.memory_space<vmem>>) semaphore(%arg14 : memref<!tpu.dma_semaphore, #tpu.memory_space<semaphore_mem>>) {add = true}
    %dma_start3A_167 = arith.constant 8 : i32
    %dma_start3A_168 = arith.constant 0 : i32
    %dma_start3A_169 = tpu.memref_slice %arg8[%dma_start3A_167, %dma_start3A_168] : memref<10x128xi32, #tpu.memory_space<vmem>> -> memref<1x128xi32, #tpu.memory_space<vmem>>
    %dma_start3A_170 = tpu.memref_squeeze %dma_start3A_169 : memref<1x128xi32, #tpu.memory_space<vmem>> -> memref<128xi32, #tpu.memory_space<vmem>>
    %dma_start3A_171 = arith.constant 0 : i32
    %dma_start3A_172 = tpu.memref_slice %arg13[%dma_start3A_171] : memref<1024xf32, #tpu.memory_space<vmem_shared>> -> memref<1024xf32, #tpu.memory_space<vmem_shared>>
    tpu.enqueue_indirect_dma source(%arg9 : memref<128xf32, #tpu.memory_space<vmem>>) target(%dma_start3A_172 : memref<1024xf32, #tpu.memory_space<vmem_shared>>) offsets(%dma_start3A_170 : memref<128xi32, #tpu.memory_space<vmem>>) semaphore(%arg14 : memref<!tpu.dma_semaphore, #tpu.memory_space<semaphore_mem>>) {add = true}
    %dma_start3A_173 = arith.constant 9 : i32
    %dma_start3A_174 = arith.constant 0 : i32
    %dma_start3A_175 = tpu.memref_slice %arg8[%dma_start3A_173, %dma_start3A_174] : memref<10x128xi32, #tpu.memory_space<vmem>> -> memref<1x128xi32, #tpu.memory_space<vmem>>
    %dma_start3A_176 = tpu.memref_squeeze %dma_start3A_175 : memref<1x128xi32, #tpu.memory_space<vmem>> -> memref<128xi32, #tpu.memory_space<vmem>>
    %dma_start3A_177 = arith.constant 0 : i32
    %dma_start3A_178 = tpu.memref_slice %arg13[%dma_start3A_177] : memref<1024xf32, #tpu.memory_space<vmem_shared>> -> memref<1024xf32, #tpu.memory_space<vmem_shared>>
    tpu.enqueue_indirect_dma source(%arg9 : memref<128xf32, #tpu.memory_space<vmem>>) target(%dma_start3A_178 : memref<1024xf32, #tpu.memory_space<vmem_shared>>) offsets(%dma_start3A_176 : memref<128xi32, #tpu.memory_space<vmem>>) semaphore(%arg14 : memref<!tpu.dma_semaphore, #tpu.memory_space<semaphore_mem>>) {add = true}
    %dma_wait3A_179 = arith.constant 0 : i32
    %dma_wait3A_180 = tpu.memref_slice %arg6[%dma_wait3A_179] : memref<1280xf32, #tpu.memory_space<vmem>> -> memref<1280xf32, #tpu.memory_space<vmem>>
    %dma_wait3A_181 = arith.constant 0 : i32
    %dma_wait3A_182 = tpu.memref_slice %arg2[%dma_wait3A_181] : memref<20000xf32, #tpu.memory_space<hbm>> -> memref<1280xf32, #tpu.memory_space<hbm>>
    %dma_wait3A_183 = arith.constant 0 : i32
    %dma_wait3A_184 = tpu.memref_slice %arg6[%dma_wait3A_183] : memref<1280xf32, #tpu.memory_space<vmem>> -> memref<1280xf32, #tpu.memory_space<vmem>>
    %dma_wait3A_185 = arith.constant 0 : i32
    %dma_wait3A_186 = tpu.memref_slice %arg2[%dma_wait3A_185] : memref<20000xf32, #tpu.memory_space<hbm>> -> memref<1280xf32, #tpu.memory_space<hbm>>
    tpu.wait_dma2 semaphore(%arg14 : memref<!tpu.dma_semaphore, #tpu.memory_space<semaphore_mem>>) src(%dma_wait3A_186 : memref<1280xf32, #tpu.memory_space<hbm>>) dst(%dma_wait3A_184 : memref<1280xf32, #tpu.memory_space<vmem>>)
    %barrier3A_187 = arith.constant 0 : index
    tpu.barrier barrier_id(%barrier3A_187)
    "tpu.region"() ({
      %run_scoped3A = tpu.sem_alloc : memref<!tpu.dma_semaphore, #tpu.memory_space<semaphore_mem>>
      %dma_start3A_227 = tpu.memref_slice %arg13[%mul3A_0] : memref<1024xf32, #tpu.memory_space<vmem_shared>> -> memref<64xf32, #tpu.memory_space<vmem_shared>>
      %dma_start3A_228 = tpu.memref_slice %arg13[%mul3A_0] : memref<1024xf32, #tpu.memory_space<vmem_shared>> -> memref<64xf32, #tpu.memory_space<vmem_shared>>
      tpu.enqueue_dma source(%dma_start3A_228 : memref<64xf32, #tpu.memory_space<vmem_shared>>) target(%arg10 : memref<64xf32, #tpu.memory_space<vmem>>) target_semaphore(%run_scoped3A : memref<!tpu.dma_semaphore, #tpu.memory_space<semaphore_mem>>)
      %dma_wait3A_229 = tpu.memref_slice %arg13[%mul3A_0] : memref<1024xf32, #tpu.memory_space<vmem_shared>> -> memref<64xf32, #tpu.memory_space<vmem_shared>>
      %dma_wait3A_230 = tpu.memref_slice %arg13[%mul3A_0] : memref<1024xf32, #tpu.memory_space<vmem_shared>> -> memref<64xf32, #tpu.memory_space<vmem_shared>>
      tpu.wait_dma2 semaphore(%run_scoped3A : memref<!tpu.dma_semaphore, #tpu.memory_space<semaphore_mem>>) src(%dma_wait3A_230 : memref<64xf32, #tpu.memory_space<vmem_shared>>) dst(%arg10 : memref<64xf32, #tpu.memory_space<vmem>>)
      tpu.yield
    }) : () -> ()
    %get3A_188 = arith.constant 0 : index
    %get3A_189 = tpu.vector_load %arg10[%get3A_188] {strides = array<i32>} : memref<64xf32, #tpu.memory_space<vmem>>, vector<16xf32>,
    %gt3A = arith.constant 0.000000e+00 : f32
    %gt3A_190 = vector.broadcast %gt3A : f32 to vector<16xf32>
    %gt3A_191 = arith.cmpf ogt, %get3A_189, %gt3A_190 : vector<16xf32>
    %get3A_192 = arith.constant 0 : index
    %get3A_193 = tpu.vector_load %arg11[%get3A_192] {strides = array<i32>} : memref<64xf32, #tpu.memory_space<vmem>>, vector<16xf32>,
    %select_n3A_194 = arith.select %gt3A_191, %get3A_193, %broadcast_in_dim3A_3 : vector<16xi1>, vector<16xf32>
    %swap3A_195 = arith.constant 0 : index
    %swap3A_196 = tpu.vector_load %arg12[%swap3A_195] {strides = array<i32>} : memref<64xf32, #tpu.memory_space<vmem>>, vector<16xf32>,
    tpu.vector_store %arg12[%swap3A_195], %select_n3A_194 {strides = array<i32>} : memref<64xf32, #tpu.memory_space<vmem>>, vector<16xf32>,
    %get3A_197 = arith.constant 16 : index
    %get3A_198 = tpu.vector_load %arg10[%get3A_197] {strides = array<i32>} : memref<64xf32, #tpu.memory_space<vmem>>, vector<16xf32>,
    %gt3A_199 = arith.constant 0.000000e+00 : f32
    %gt3A_200 = vector.broadcast %gt3A_199 : f32 to vector<16xf32>
    %gt3A_201 = arith.cmpf ogt, %get3A_198, %gt3A_200 : vector<16xf32>
    %get3A_202 = arith.constant 16 : index
    %get3A_203 = tpu.vector_load %arg11[%get3A_202] {strides = array<i32>} : memref<64xf32, #tpu.memory_space<vmem>>, vector<16xf32>,
    %select_n3A_204 = arith.select %gt3A_201, %get3A_203, %broadcast_in_dim3A_3 : vector<16xi1>, vector<16xf32>
    %swap3A_205 = arith.constant 16 : index
    %swap3A_206 = tpu.vector_load %arg12[%swap3A_205] {strides = array<i32>} : memref<64xf32, #tpu.memory_space<vmem>>, vector<16xf32>,
    tpu.vector_store %arg12[%swap3A_205], %select_n3A_204 {strides = array<i32>} : memref<64xf32, #tpu.memory_space<vmem>>, vector<16xf32>,
    %get3A_207 = arith.constant 32 : index
    %get3A_208 = tpu.vector_load %arg10[%get3A_207] {strides = array<i32>} : memref<64xf32, #tpu.memory_space<vmem>>, vector<16xf32>,
    %gt3A_209 = arith.constant 0.000000e+00 : f32
    %gt3A_210 = vector.broadcast %gt3A_209 : f32 to vector<16xf32>
    %gt3A_211 = arith.cmpf ogt, %get3A_208, %gt3A_210 : vector<16xf32>
    %get3A_212 = arith.constant 32 : index
    %get3A_213 = tpu.vector_load %arg11[%get3A_212] {strides = array<i32>} : memref<64xf32, #tpu.memory_space<vmem>>, vector<16xf32>,
    %select_n3A_214 = arith.select %gt3A_211, %get3A_213, %broadcast_in_dim3A_3 : vector<16xi1>, vector<16xf32>
    %swap3A_215 = arith.constant 32 : index
    %swap3A_216 = tpu.vector_load %arg12[%swap3A_215] {strides = array<i32>} : memref<64xf32, #tpu.memory_space<vmem>>, vector<16xf32>,
    tpu.vector_store %arg12[%swap3A_215], %select_n3A_214 {strides = array<i32>} : memref<64xf32, #tpu.memory_space<vmem>>, vector<16xf32>,
    %get3A_217 = arith.constant 48 : index
    %get3A_218 = tpu.vector_load %arg10[%get3A_217] {strides = array<i32>} : memref<64xf32, #tpu.memory_space<vmem>>, vector<16xf32>,
    %gt3A_219 = arith.constant 0.000000e+00 : f32
    %gt3A_220 = vector.broadcast %gt3A_219 : f32 to vector<16xf32>
    %gt3A_221 = arith.cmpf ogt, %get3A_218, %gt3A_220 : vector<16xf32>
    %get3A_222 = arith.constant 48 : index
    %get3A_223 = tpu.vector_load %arg11[%get3A_222] {strides = array<i32>} : memref<64xf32, #tpu.memory_space<vmem>>, vector<16xf32>,
    %select_n3A_224 = arith.select %gt3A_221, %get3A_223, %broadcast_in_dim3A_3 : vector<16xi1>, vector<16xf32>
    %swap3A_225 = arith.constant 48 : index
    %swap3A_226 = tpu.vector_load %arg12[%swap3A_225] {strides = array<i32>} : memref<64xf32, #tpu.memory_space<vmem>>, vector<16xf32>,
    tpu.vector_store %arg12[%swap3A_225], %select_n3A_224 {strides = array<i32>} : memref<64xf32, #tpu.memory_space<vmem>>, vector<16xf32>,
    "tpu.region"() ({
      %run_scoped3A = tpu.sem_alloc : memref<!tpu.dma_semaphore, #tpu.memory_space<semaphore_mem>>
      %dma_start3A_227 = tpu.memref_slice %arg5[%mul3A_0] : memref<1024xf32, #tpu.memory_space<hbm>> -> memref<64xf32, #tpu.memory_space<hbm>>
      %dma_start3A_228 = tpu.memref_slice %arg5[%mul3A_0] : memref<1024xf32, #tpu.memory_space<hbm>> -> memref<64xf32, #tpu.memory_space<hbm>>
      tpu.enqueue_dma source(%arg12 : memref<64xf32, #tpu.memory_space<vmem>>) target(%dma_start3A_228 : memref<64xf32, #tpu.memory_space<hbm>>) target_semaphore(%run_scoped3A : memref<!tpu.dma_semaphore, #tpu.memory_space<semaphore_mem>>)
      %dma_wait3A_229 = tpu.memref_slice %arg5[%mul3A_0] : memref<1024xf32, #tpu.memory_space<hbm>> -> memref<64xf32, #tpu.memory_space<hbm>>
      %dma_wait3A_230 = tpu.memref_slice %arg5[%mul3A_0] : memref<1024xf32, #tpu.memory_space<hbm>> -> memref<64xf32, #tpu.memory_space<hbm>>
      tpu.wait_dma2 semaphore(%run_scoped3A : memref<!tpu.dma_semaphore, #tpu.memory_space<semaphore_mem>>) src(%arg12 : memref<64xf32, #tpu.memory_space<vmem>>) dst(%dma_wait3A_230 : memref<64xf32, #tpu.memory_space<hbm>>)
      tpu.yield
    }) : () -> ()
    return
  }
}

</mosaic_0001>

<sc_bundles>
// kernel: _region_attention.3.cloned.1.call-start
scs
__scs_entry_jumppad:
0x0: {  	(pc) =	sbr.rel $0x88, $3  }
0x1: {  	(tag) =	ssettag $0x0;
	lr =	simm.s32 $0x1  }
0x2: {  	[smem:$0x3F9E] =	sst lr;
	_ =	strace $0xD0000000  }
0x3: {  	_ = 	snop  }
0x4: {  	_ = 	snop  }
0x5: {  	_ = 	snop  }
0x6: {  	_ = 	snop  }
0x7: {  	_ = 	snop  }
__scs_overlays_trampoline_lowered:
0x8: {  	[smem:$0x3FAD] =	sst s0  }
0x9: {  	[smem:$0x3FAE] =	sst s1  }
0xa: {  	[smem:$0x3FAF] =	sst s2  }
0xb: {  	[smem:$0x3FB0] =	sst s3  }
0xc: {  	[smem:$0x3FB1] =	sst s4  }
0xd: {  	[smem:$0x3FB2] =	sst s5  }
0xe: {  	[smem:$0x3FB3] =	sst s6  }
0xf: {  	[smem:$0x3FB4] =	sst s7  }
0x10: {  	[smem:$0x3FB5] =	sst s8  }
0x11: {  	[smem:$0x3FB6] =	sst s9;
	s0 =	simm.s32 @!p0 $0x0  }
0x12: {  	s1 =	sld [smem:$0x3F9C];
	s0 =	simm.s32 @p0 $0x1  }
0x13: {  	[smem:$0x3FB7] =	sst s0;
	s0 =	simm.s32 @!p1 $0x0  }
0x14: {  	s2 =	sld [smem:$0x3F9B];
	s0 =	simm.s32 @p1 $0x1  }
0x15: {  	[smem:$0x3FB8] =	sst s0;
	s0 =	simm.s32 @!p2 $0x0  }
0x16: {  	s3 =	sld [smem:$0x3FDB];
	s0 =	simm.s32 @p2 $0x1  }
0x17: {  	s4 =	simm.s32 $0x1BF5;
	[smem:$0x3FBA] =	sst s0  }
0x18: {  	s0 =	sld [smem:$0x3F9D];
	_ =	swait.ge [sflag:s4], $0x0  }
0x19: {  	s7 =	sld [smem:$0x3F9E]  }
0x1a: {  	s8 =	sadd.s32 $0xFFFFE003, lr  }
0x1b: {  	s9 =	sadd.s32 $0xFFFFFEF7, lr;
	s5 =	simm.s32 $0xFFFFFFFF;
	p2 =	slt.u32 s8, $0xFFFFF086  }
0x1c: {  	p1 =	slt.u32 s9, $0xF7A;
	s5 =	simm.s32 @!p2 $0x0  }
0x1d: {  	s5 =	simm.s32 @p1 $0x1;
	p0 =	seq.s32 s7, s2  }
0x1e: {  	s7 =	smul.u32 @!p0 $0xF7A, s2;
	p2 =	seq.s32 @!p0 s5, $0x0  }
0x1f: {  	s9 =	smul.u32 $0xF7A, s1;
	s8 =	simm.s32 @!p0 $0x1BF5;
	p2 =	por !p2, p0  }
0x20: {  	[sflag:s8] =	ssyncset.s32 @!p0 $0xFFFFF086;
	s6 =	sadd.s32 @!p0 s3, s7;
	s7 =	simm.s32 @!p0 $0x108  }
0x21: {  	s3 =	sadd.s32 s3, s9;
	s6 =	sadd.s32 @!p0 $0x88, s6;
	s7 =	simm.s32 @p2 $0x1082  }
0x22: {  	[simem:s7], [sflag:s8] =	dma.local @!p0 [hbm:s6], $0xF7A  }
0x23: {  	s9 =	sor.u32 $0xD0000000, s2;
	s6 =	simm.s32 $0x108;
	_ =	swait.ge @!p0 [sflag:s8], $0x0  }
0x24: {  	s3 =	sadd.s32 $0x88, s3;
	s6 =	simm.s32 @!p1 $0x1082;
	[sflag:s4] =	ssyncset.s32 $0xFFFFF086  }
0x25: {  	[simem:s6], [sflag:s4] =	dma.local [hbm:s3], $0xF7A  }
0x26: {  	[smem:$0x3F9E] =	sst s1;
	(tag) =	ssettag s2;
	_ =	strace s9  }
0x27: {  	s1 =	sld [smem:$0x3FAE]  }
0x28: {  	s2 =	sld [smem:$0x3FAF]  }
0x29: {  	s4 =	sld [smem:$0x3FB1]  }
0x2a: {  	p0 =	seq.s32 s5, $0x0;
	s5 =	sld [smem:$0x3FB2]  }
0x2b: {  	s6 =	sld [smem:$0x3FB3]  }
0x2c: {  	s7 =	sld [smem:$0x3FB4]  }
0x2d: {  	s3 =	simm.s32 $0x108;
	s8 =	sld [smem:$0x3FB5]  }
0x2e: {  	s3 =	simm.s32 @!p0 $0x1082;
	s9 =	sld [smem:$0x3FB6]  }
0x2f: {  	lr =	sadd.s32 s0, s3;
	s0 =	sld [smem:$0x3FAD]  }
0x30: {  	s3 =	sld [smem:$0x3FB0]  }
0x31: {  	[smem:$0x3FB9] =	sst s10  }
0x32: {  	s10 =	sld [smem:$0x3FB7];
	_ =	sdelay $0x3  }
0x33: {  	p0 =	seq.s32 s10, $0x1;
	s10 =	sld [smem:$0x3FB9];
	_ =	sdelay $0x3  }
0x34: {  	[smem:$0x3FB9] =	sst s10  }
0x35: {  	s10 =	sld [smem:$0x3FB8];
	_ =	sdelay $0x3  }
0x36: {  	p1 =	seq.s32 s10, $0x1;
	s10 =	sld [smem:$0x3FB9];
	_ =	sdelay $0x3  }
0x37: {  	[smem:$0x3FB9] =	sst s10  }
0x38: {  	s10 =	sld [smem:$0x3FBA]  }
0x39: {  	_ = 	snop;
	(pc) =	sbr.ind lr, $3  }
0x3a: {  	_ = 	snop  }
0x3b: {  	_ = 	snop  }
0x3c: {  	p2 =	seq.s32 s10, $0x1;
	s10 =	sld [smem:$0x3FB9]  }
0x3d: {  	_ =	shalt  }
0x3e: {  	_ =	shalt  }
0x3f: {  	_ =	shalt  }
0x40: {  	_ =	shalt  }
0x41: {  	_ =	shalt  }
0x42: {  	_ =	shalt  }
0x43: {  	_ =	shalt  }
0x44: {  	_ =	shalt  }
0x45: {  	_ =	shalt  }
0x46: {  	_ =	shalt  }
0x47: {  	_ =	shalt  }
0x48: {  	_ =	shalt  }
0x49: {  	_ =	shalt  }
0x4a: {  	_ =	shalt  }
0x4b: {  	_ =	shalt  }
0x4c: {  	_ =	shalt  }
0x4d: {  	_ =	shalt  }
0x4e: {  	_ =	shalt  }
0x4f: {  	_ =	shalt  }
0x50: {  	_ =	shalt  }
0x51: {  	_ =	shalt  }
0x52: {  	_ =	shalt  }
0x53: {  	_ =	shalt  }
0x54: {  	_ =	shalt  }
0x55: {  	_ =	shalt  }
0x56: {  	_ =	shalt  }
0x57: {  	_ =	shalt  }
0x58: {  	_ =	shalt  }
0x59: {  	_ =	shalt  }
0x5a: {  	_ =	shalt  }
0x5b: {  	_ =	shalt  }
0x5c: {  	_ =	shalt  }
0x5d: {  	_ =	shalt  }
0x5e: {  	_ =	shalt  }
0x5f: {  	_ =	shalt  }
0x60: {  	_ =	shalt  }
0x61: {  	_ =	shalt  }
0x62: {  	_ =	shalt  }
0x63: {  	_ =	shalt  }
0x64: {  	_ =	shalt  }
0x65: {  	_ =	shalt  }
0x66: {  	_ =	shalt  }
0x67: {  	_ =	shalt  }
0x68: {  	_ =	shalt  }
0x69: {  	_ =	shalt  }
0x6a: {  	_ =	shalt  }
0x6b: {  	_ =	shalt  }
0x6c: {  	_ =	shalt  }
0x6d: {  	_ =	shalt  }
0x6e: {  	_ =	shalt  }
0x6f: {  	_ =	shalt  }
0x70: {  	_ =	shalt  }
0x71: {  	_ =	shalt  }
0x72: {  	_ =	shalt  }
0x73: {  	_ =	shalt  }
0x74: {  	_ =	shalt  }
0x75: {  	_ =	shalt  }
0x76: {  	_ =	shalt  }
0x77: {  	_ =	shalt  }
0x78: {  	_ =	shalt  }
0x79: {  	_ =	shalt  }
0x7a: {  	_ =	shalt  }
0x7b: {  	_ =	shalt  }
0x7c: {  	_ =	shalt  }
0x7d: {  	_ =	shalt  }
0x7e: {  	_ =	shalt  }
0x7f: {  	_ =	shalt  }
0x80: {  	_ =	shalt  }
0x81: {  	_ =	shalt  }
0x82: {  	_ =	shalt  }
0x83: {  	_ =	shalt  }
0x84: {  	_ =	shalt  }
0x85: {  	_ =	shalt  }
0x86: {  	_ =	shalt  }
0x87: {  	_ =	shalt  }
.Lfunc_end0:
.L_simem_size_0:
called_computation_lowered:
.L_overlay_start_0:
0x88: {  	s0 =	sld [smem:$0x3FD9]  }
0x89: {  	s1 =	sld [smem:$0x3FFE];
	_ =	sdelay $0x3  }
0x8a: {  	s0 =	sadd.s32 s1, s0  }
0x8b: {  	[smem:$0x3FC5] =	sst s0  }
0x8c: {  	_ = 	snop  }
0x8d: {  	s0 =	sld [smem:$0x3FC9]  }
0x8e: {  	s17 =	sld [smem:$0x3FC8]  }
0x8f: {  	s2 =	sld [smem:$0x3FC7]  }
0x90: {  	s3 =	sld [smem:$0x3FD0];
	(tm) =	ssettm $0x1  }
0x91: {  	s4 =	sld [smem:$0x3FFB];
	_ =	sdelay $0x3  }
0x92: {  	_ =	strace s4  }
0x93: {  	s4 =	sld [smem:$0x3FFC];
	_ =	sdelay $0x3  }
0x94: {  	_ =	strace s4  }
0x95: {  	s4 =	sld [smem:$0x3FFD];
	_ =	sdelay $0x3  }
0x96: {  	_ =	strace s4  }
0x97: {  	_ =	strace $0x8FFFFFFF  }
0x98: {  	s18 =	sld [smem:$0x3FDB];
	_ =	sdelay $0x1  }
0x99: {  	s5 =	simm.s32 $_scs_section_size  }
0x9a: {  	s6 =	simm.s32 $_size__tile_overlayer_lowered;
	s7 =	simm.s32 $_tile_overlayer_lowered  }
0x9b: {  	s21 =	simm.s32 $0x1BFF;
	s20 =	sshll.u32 s7, $0x1;
	s4 =	sadd.s32 s5, s18  }
0x9c: {  	s8 =	simm.s32 $0x0;
	s19 =	sshll.u32 s6, $0x1;
	s6 =	sadd.s32 s20, s4  }
0x9d: {  	[timem:s8], [sflag:s21] =	dma.local [hbm:s6], s19  }
0x9e: {  	_ =	swait.ge [sflag:s21], s19  }
0x9f: {  	s5 =	ssub.s32 $0x0, s19;
	[sflag:s21] =	ssyncset.done $0x0  }
0xa0: {  	[sflag:s21] =	ssyncadd.s32 s5;
	_ =	sdelay $0x1  }
0xa1: {  	s22 =	simm.s32 $0x1B8B  }
0xa2: {  	_ =	swait.ge [sflag:s22], $0x1  }
0xa3: {  	[sflag:s22] =	ssyncset.done $0x0  }
0xa4: {  	s23 =	simm.s32 $0x1B8E;
	[sflag:s22] =	ssyncadd.s32 $0xFFFFFFFF  }
0xa5: {  	s24 =	simm.s32 $execute0_lowered;
	[smem:$0x3FD2] =	sst s23  }
0xa6: {  	s5 =	sshll.u32 s24, $0x1;
	_ =	strace $0x80000046;
	[dreg:$0x1] =	wrdreg $0xFFFFFFFF  }
0xa7: {  	s25 =	simm.s32 $_size_execute0_lowered;
	s4 =	sadd.s32 s4, s5;
	[dreg:$0x0] =	wrdreg $0x0  }
0xa8: {  	s5 =	sshll.u32 s25, $0x1;
	[dreg:$0x2] =	wrdreg s4  }
0xa9: {  	[dreg:$0x3] =	wrdreg s5  }
0xaa: {  	[dreg:$0x4] =	wrdreg $0xC0  }
0xab: {  	_ =	task [dreg:s8], $0x5FFFF  }
0xac: {  	[dreg:$0x1] =	wrdreg $0xFFFFFFFF  }
0xad: {  	[dreg:$0x0] =	wrdreg $0x60  }
0xae: {  	[dreg:$0x2] =	wrdreg s0  }
0xaf: {  	[dreg:$0x3] =	wrdreg s17  }
0xb0: {  	[dreg:$0x4] =	wrdreg s2  }
0xb1: {  	[dreg:$0x5] =	wrdreg s3  }
0xb2: {  	[dreg:$0x6] =	wrdreg $0x14000  }
0xb3: {  	[dreg:$0x7] =	wrdreg $0x9  }
0xb4: {  	_ =	task.clear_ibuf [dreg:s8], $0x8FFFF;
	_ =	strace $0x90000046  }
0xb5: {  	s26 =	simm.s32 $0x9;
	_ =	strace $0x80000048  }
0xb6: {  	_ =	swait.ge [sflag:s26], $0x1  }
0xb7: {  	[sflag:s26] =	ssyncadd.s32 $0xFFFFFFFF  }
0xb8: {  	_ =	strace $0x90000048  }
0xb9: {  	_ =	sfence  }
0xba: {  	s28 =	sld [smem:$0x0];
	_ =	sdelay $0x1  }
0xbb: {  	s29 =	srdreg.scid  }
0xbc: {  	s30 =	sshll.u32 s29, $0xD;
	s31 =	sshrl.u32 s29, $0x2  }
0xbd: {  	s1 =	sand.u32 $0x1, s29;
	s2 =	sand.u32 $0x4000, s30;
	s0 =	sadd.s32 s31, s28  }
0xbe: {  	s1 =	sor.u32 s2, s1;
	s0 =	sshll.u32 s0, $0x11  }
0xbf: {  	s0 =	sor.u32 s0, s1  }
0xc0: {  	s0 =	sadd.s32 $0x8F2B, s0  }
0xc1: {  	[sflag:s0] =	ssyncadd.remote.s32 $0x1  }
0xc2: {  	_ =	sfence.sel $0xFFFF  }
0xc3: {  	[dreg:$0x0] =	wrdreg $0xFFFFFFFF;
	(pc) =	sbr.abs _section_cstart, $3  }
0xc4: {  	[dreg:$0x1] =	wrdreg $0xFFFFFFFF  }
0xc5: {  	_ =	task.clear_ibuf [dreg:s8], $0x2FFFF;
	_ =	strace $0x9FFFFFFF  }
0xc6: {  	(tm) =	ssettm $0x7FFFFFFF  }
0xc7: {  	_ =	shalt  }
tec
execute0_lowered:
.L_overlay_start_1:
0x0: {  	(tag) =	ssettag $0x1  }
0x1: {  	s5 =	rddreg [dreg:$0x0]  }
0x2: {  	s7 =	rddreg [dreg:$0x1]  }
0x3: {  	s8 =	rddreg [dreg:$0x2]  }
0x4: {  	s2 =	rddreg [dreg:$0x3]  }
0x5: {  	s4 =	rddreg [dreg:$0x4];
	s1 =	stileid.u32  }
0x6: {  	s0 =	rddreg [dreg:$0x5];
	s6 =	simm.s32 $0x0;
	s3 =	smul.u32 $0x9C, s1  }
0x7: {  	s18 =	simm.s32 $0x500;
	[smem:$0x7FF] =	sst s6;
	s11 =	sshll.u32 s1, $0x1  }
0x8: {  	p0 =	slt.u32 s1, $0x2;
	_ =	strace $0x80000047;
	s9 =	sadd.s32 s5, s3  }
0x9: {  	[tilespmem:s6], [sflag:$0x1] =	stream.linear.gather [hbm4b:s9+s6], $0x4E0, $0x38;
	[tilespmem:$0x1440] =	vst v63  }
0xa: {  	s10 =	sadd.s32 s7, s3;
	s3 =	sshll.u32 s1, $0x3;
	s9 =	sor.u32 $0x9C0, s11  }
0xb: {  	[tilespmem:s18], [sflag:$0x1] =	stream.linear.gather [hbm4b:s10+s6], $0x4E0, $0x38;
	[tilespmem:$0x1440] =	vst v63  }
0xc: {  	s19 =	simm.s32 $0x1300;
	s8 =	sadd.s32 s8, s3;
	s9 =	simm.s32 @!p0 $0x9C0  }
0xd: {  	[tilespmem:s19], [sflag:$0x1] =	stream.linear.gather [hbm4b:s8+s6], $0x40, $0x38;
	[tilespmem:$0x1440] =	vst v63  }
0xe: {  	s20 =	simm.s32 $0x4E0;
	s5 =	sadd.s32 s5, s9  }
0xf: {  	[tilespmem:s20], [sflag:$0x1] =	stream.linear.gather [hbm4b:s5+s6], $0x10, $0x38;
	[tilespmem:$0x1440] =	vst v63  }
0x10: {  	s22 =	simm.s32 $0x9E0;
	s21 =	sadd.s32 s7, s9  }
0x11: {  	v0 =	vimm.f32 $1.000000000e+00;
	[tilespmem:s22], [sflag:$0x1] =	stream.linear.gather [hbm4b:s21+s6], $0x10, $0x38;
	[tilespmem:$0x1440] =	vst v63  }
0x12: {  	[tilespmem:$0x1200] =	vst v0  }
0x13: {  	[tilespmem:$0x1210] =	vst v0  }
0x14: {  	[tilespmem:$0x1220] =	vst v0  }
0x15: {  	[tilespmem:$0x1230] =	vst v0  }
0x16: {  	[tilespmem:$0x1240] =	vst v0  }
0x17: {  	[tilespmem:$0x1250] =	vst v0  }
0x18: {  	[tilespmem:$0x1260] =	vst v0  }
0x19: {  	[tilespmem:$0x1270] =	vst v0;
	v0 =	vimm.f32 $0.0e+00  }
0x1a: {  	[tilespmem:$0x1280] =	vst v0  }
0x1b: {  	[tilespmem:$0x1290] =	vst v0  }
0x1c: {  	s23 =	sshll.u32 s1, $0x6;
	[tilespmem:$0x12A0] =	vst v0  }
0x1d: {  	s24 =	simm.s32 $0x1280;
	s25 =	simm.s32 $0x2;
	s5 =	sadd.s32 s23, s4;
	[tilespmem:$0x12B0] =	vst v0  }
0x1e: {  	[spmem:s5] =	stream.linear.scatter [tilespmem:s24], [sflag:$0x2], $0x40, $0x38;
	[tilespmem:$0x1440] =	vst v63  }
0x1f: {  	_ =	swait.ge [sflag:s25], $0x40  }
0x20: {  	[sflag:s25] =	ssyncset.done $0x0  }
0x21: {  	[sflag:s25] =	ssyncadd.s32 $0xFFFFFFC0  }
0x22: {  	s26 =	simm.s32 $0x1;
	[bflag:$0x0] =	sbarrier.arrive $0xFFFF  }
0x23: {  	_ =	swait.ge [sflag:s26], $0x4E0  }
0x24: {  	[sflag:s26] =	ssyncset.done $0x0  }
0x25: {  	[sflag:s26] =	ssyncadd.s32 $0xFFFFFB20  }
0x26: {  	_ =	swait.ge [sflag:s26], $0x4E0  }
0x27: {  	[sflag:s26] =	ssyncset.done $0x0  }
0x28: {  	[sflag:s26] =	ssyncadd.s32 $0xFFFFFB20  }
0x29: {  	_ =	swait.ge [sflag:s26], $0x40  }
0x2a: {  	[sflag:s26] =	ssyncset.done $0x0  }
0x2b: {  	[sflag:s26] =	ssyncadd.s32 $0xFFFFFFC0  }
0x2c: {  	_ =	swait.ge [sflag:s26], $0x10  }
0x2d: {  	[sflag:s26] =	ssyncset.done $0x0  }
0x2e: {  	[sflag:s26] =	ssyncadd.s32 $0xFFFFFFF0  }
0x2f: {  	_ =	swait.ge [sflag:s26], $0x10  }
0x30: {  	[sflag:s26] =	ssyncset.done $0x0  }
0x31: {  	s28 =	simm.s32 $0x0;
	[sflag:s26] =	ssyncadd.s32 $0xFFFFFFF0  }
0x32: {  	v0 =	vld [tilespmem:s28+$0x500]  }
0x33: {  	v1 =	vld [tilespmem:s28+$0x0];
	_ =	sdelay $0x3  }
0x34: {  	v0 =	vtrunc.f32 v0  }
0x35: {  	v1 =	vtrunc.f32 v1;
	v0 =	vcvt.f32.s32 v0  }
0x36: {  	s6 =	sand.u32 $0xE00, s6;
	v1 =	vcvt.f32.s32 v1  }
0x37: {  	s29 =	simm.s32 $0x0;
	s6 =	sshrl.u32 s6, $0x2;
	v0 =	vshll.u32 v0, $0x1  }
0x38: {  	s8 =	sand.u32 $0x60, s29;
	s30 =	sadd.s32 $0xA00, s6;
	v1 =	vshra.s32 v1, $0x4;
	v0 =	vand.u32 $0xFFFFFFE0, v0  }
0x39: {  	s6 =	sor.u32 s8, s30;
	v0 =	vor.u32 v1, v0  }
0x3a: {  	[tilespmem:s6+$0x0] =	vst v0  }
0x3b: {  	v0 =	vld [tilespmem:s28+$0x510]  }
0x3c: {  	v1 =	vld [tilespmem:s28+$0x10];
	_ =	sdelay $0x3  }
0x3d: {  	v0 =	vtrunc.f32 v0  }
0x3e: {  	v1 =	vtrunc.f32 v1;
	v0 =	vcvt.f32.s32 v0  }
0x3f: {  	v1 =	vcvt.f32.s32 v1  }
0x40: {  	s31 =	simm.s32 $0x10;
	v0 =	vshll.u32 v0, $0x1  }
0x41: {  	s7 =	sand.u32 $0x70, s31;
	s8 =	simm.s32 $0x50;
	v1 =	vshra.s32 v1, $0x4;
	v0 =	vand.u32 $0xFFFFFFE0, v0  }
0x42: {  	s9 =	sor.u32 s7, s30;
	s7 =	simm.s32 $0x80;
	s6 =	simm.s32 $0x30;
	v0 =	vor.u32 v1, v0  }
.LBB2_1:
0x43: {  	p0 =	sne.s32 s8, $0x270  }
0x44: {  	s10 =	sshra.s32 s7, $0x2;
	[tilespmem:s9+$0x0] =	vst v0;
	s9 =	smov.u32 s8;
	s8 =	sadd.s32 $0x20, s8  }
0x45: {  	v0 =	vld [tilespmem:s10+$0x500]  }
0x46: {  	v1 =	vld [tilespmem:s10+$0x0];
	_ =	sdelay $0x3  }
0x47: {  	v0 =	vtrunc.f32 v0  }
0x48: {  	v1 =	vtrunc.f32 v1;
	v0 =	vcvt.f32.s32 v0  }
0x49: {  	s11 =	sand.u32 $0xE00, s7;
	v1 =	vcvt.f32.s32 v1  }
0x4a: {  	s12 =	sadd.s32 $0xFFFFFFF0, s6;
	s11 =	sshrl.u32 s11, $0x2;
	v0 =	vshll.u32 v0, $0x1  }
0x4b: {  	s12 =	sand.u32 $0x60, s12;
	s11 =	sadd.s32 $0xA00, s11;
	v0 =	vand.u32 $0xFFFFFFE0, v0;
	v1 =	vshra.s32 v1, $0x4  }
0x4c: {  	s12 =	sor.u32 s12, s11;
	v0 =	vor.u32 v1, v0  }
0x4d: {  	[tilespmem:s12+$0x0] =	vst v0  }
0x4e: {  	v0 =	vld [tilespmem:s10+$0x510]  }
0x4f: {  	v1 =	vld [tilespmem:s10+$0x10];
	_ =	sdelay $0x3  }
0x50: {  	v0 =	vtrunc.f32 v0  }
.Ltmp0:
0x51: {  	v1 =	vtrunc.f32 v1;
	v0 =	vcvt.f32.s32 v0;
	(pc) =	sbr.rel @p0 .LBB2_1-.Ltmp0, $4  }
0x52: {  	v1 =	vcvt.f32.s32 v1  }
0x53: {  	v0 =	vshll.u32 v0, $0x1  }
0x54: {  	s10 =	sand.u32 $0x70, s6;
	s6 =	smov.u32 s9;
	v0 =	vand.u32 $0xFFFFFFE0, v0;
	v1 =	vshra.s32 v1, $0x4  }
0x55: {  	s7 =	sadd.s32 $0x80, s7;
	s9 =	sor.u32 s10, s11;
	v0 =	vor.u32 v1, v0  }
0x56: {  	s8 =	sshra.s32 s7, $0x2;
	[tilespmem:s9+$0x0] =	vst v0  }
0x57: {  	v0 =	vld [tilespmem:s8+$0x500]  }
0x58: {  	v1 =	vld [tilespmem:s8+$0x0];
	_ =	sdelay $0x3  }
0x59: {  	v0 =	vtrunc.f32 v0  }
0x5a: {  	v1 =	vtrunc.f32 v1;
	v0 =	vcvt.f32.s32 v0  }
0x5b: {  	s16 =	sand.u32 $0xE00, s7;
	v1 =	vcvt.f32.s32 v1  }
0x5c: {  	s17 =	sadd.s32 $0xFFFFFFF0, s6;
	s7 =	sshrl.u32 s16, $0x2;
	v0 =	vshll.u32 v0, $0x1  }
0x5d: {  	s9 =	sand.u32 $0x60, s17;
	s7 =	sadd.s32 $0xA00, s7;
	v1 =	vshra.s32 v1, $0x4;
	v0 =	vand.u32 $0xFFFFFFE0, v0  }
0x5e: {  	s9 =	sor.u32 s9, s7;
	v0 =	vor.u32 v1, v0  }
0x5f: {  	[tilespmem:s9+$0x0] =	vst v0  }
0x60: {  	v0 =	vld [tilespmem:s8+$0x510]  }
0x61: {  	v1 =	vld [tilespmem:s8+$0x10];
	_ =	sdelay $0x3  }
0x62: {  	v0 =	vtrunc.f32 v0  }
0x63: {  	v1 =	vtrunc.f32 v1;
	v0 =	vcvt.f32.s32 v0  }
0x64: {  	v1 =	vcvt.f32.s32 v1  }
0x65: {  	v0 =	vshll.u32 v0, $0x1  }
0x66: {  	s18 =	sand.u32 $0x70, s6;
	v1 =	vshra.s32 v1, $0x4;
	v0 =	vand.u32 $0xFFFFFFE0, v0  }
0x67: {  	s6 =	sor.u32 s18, s7;
	v0 =	vor.u32 v1, v0  }
0x68: {  	s19 =	simm.s32 $0x80;
	s20 =	simm.s32 $0xA00;
	s21 =	simm.s32 $0x1200;
	[tilespmem:s6+$0x0] =	vst v0  }
0x69: {  	[spmem:s4] =	stream.indirect.scatter.add.f32 [tilespmem:s21], [sflag:$0x1], $0x1, s20, s19, $0xb8;
	[tilespmem:$0x1440] =	vst v63  }
0x6a: {  	s22 =	simm.s32 $0xA80  }
0x6b: {  	[spmem:s4] =	stream.indirect.scatter.add.f32 [tilespmem:s21], [sflag:$0x1], $0x1, s22, s19, $0xb8;
	[tilespmem:$0x1440] =	vst v63  }
0x6c: {  	s23 =	simm.s32 $0xB00  }
0x6d: {  	[spmem:s4] =	stream.indirect.scatter.add.f32 [tilespmem:s21], [sflag:$0x1], $0x1, s23, s19, $0xb8;
	[tilespmem:$0x1440] =	vst v63  }
0x6e: {  	s24 =	simm.s32 $0xB80  }
0x6f: {  	[spmem:s4] =	stream.indirect.scatter.add.f32 [tilespmem:s21], [sflag:$0x1], $0x1, s24, s19, $0xb8;
	[tilespmem:$0x1440] =	vst v63  }
0x70: {  	s25 =	simm.s32 $0xC00;
	s26 =	simm.s32 $0x0  }
0x71: {  	[spmem:s4] =	stream.indirect.scatter.add.f32 [tilespmem:s21], [sflag:$0x1], $0x1, s25, s19, $0xb8;
	[tilespmem:$0x1440] =	vst v63  }
0x72: {  	v0 =	vld [tilespmem:s26+$0x780]  }
0x73: {  	v1 =	vld [tilespmem:s26+$0x280];
	_ =	sdelay $0x3  }
0x74: {  	v0 =	vtrunc.f32 v0  }
0x75: {  	s28 =	simm.s32 $0xA00;
	v1 =	vtrunc.f32 v1;
	v0 =	vcvt.f32.s32 v0  }
0x76: {  	s7 =	sand.u32 $0x1E00, s28;
	v1 =	vcvt.f32.s32 v1  }
0x77: {  	s29 =	simm.s32 $0x280;
	s7 =	sshrl.u32 s7, $0x2;
	v0 =	vshll.u32 v0, $0x1  }
0x78: {  	s7 =	sadd.s32 $0xA00, s7;
	s8 =	sand.u32 $0x60, s29;
	v1 =	vshra.s32 v1, $0x4;
	v0 =	vand.u32 $0xFFFFFFE0, v0  }
0x79: {  	s8 =	sor.u32 s8, s7;
	v0 =	vor.u32 v1, v0  }
0x7a: {  	[tilespmem:s8+$0x0] =	vst v0  }
0x7b: {  	v0 =	vld [tilespmem:s26+$0x790]  }
0x7c: {  	v1 =	vld [tilespmem:s26+$0x290];
	_ =	sdelay $0x3  }
0x7d: {  	v0 =	vtrunc.f32 v0  }
0x7e: {  	v1 =	vtrunc.f32 v1;
	v0 =	vcvt.f32.s32 v0  }
0x7f: {  	s30 =	simm.s32 $0x290;
	v1 =	vcvt.f32.s32 v1  }
0x80: {  	s31 =	sand.u32 $0x70, s30;
	v0 =	vshll.u32 v0, $0x1  }
0x81: {  	s9 =	sor.u32 s31, s7;
	v1 =	vshra.s32 v1, $0x4;
	v0 =	vand.u32 $0xFFFFFFE0, v0  }
0x82: {  	s7 =	simm.s32 $0x80;
	s6 =	simm.s32 $0x2A0;
	s8 =	simm.s32 $0x2C0;
	v0 =	vor.u32 v1, v0  }
.LBB2_3:
0x83: {  	p0 =	sne.s32 s8, $0x4C0  }
0x84: {  	s10 =	sshra.s32 s7, $0x2;
	[tilespmem:s9+$0x0] =	vst v0;
	s9 =	smov.u32 s8;
	s8 =	sadd.s32 $0x20, s8  }
0x85: {  	v0 =	vld [tilespmem:s10+$0x780]  }
0x86: {  	v1 =	vld [tilespmem:s10+$0x280];
	_ =	sdelay $0x3  }
0x87: {  	v0 =	vtrunc.f32 v0  }
0x88: {  	s11 =	sadd.s32 $0xA00, s7;
	v1 =	vtrunc.f32 v1;
	v0 =	vcvt.f32.s32 v0  }
0x89: {  	s11 =	sand.u32 $0x1E00, s11;
	v1 =	vcvt.f32.s32 v1  }
0x8a: {  	s11 =	sshrl.u32 s11, $0x2;
	v0 =	vshll.u32 v0, $0x1  }
0x8b: {  	s12 =	sand.u32 $0x60, s6;
	s11 =	sadd.s32 $0xA00, s11;
	v0 =	vand.u32 $0xFFFFFFE0, v0;
	v1 =	vshra.s32 v1, $0x4  }
0x8c: {  	s12 =	sor.u32 s12, s11;
	v0 =	vor.u32 v1, v0  }
0x8d: {  	[tilespmem:s12+$0x0] =	vst v0  }
0x8e: {  	v0 =	vld [tilespmem:s10+$0x790]  }
0x8f: {  	v1 =	vld [tilespmem:s10+$0x290];
	_ =	sdelay $0x3  }
0x90: {  	v0 =	vtrunc.f32 v0  }
.Ltmp1:
0x91: {  	v1 =	vtrunc.f32 v1;
	v0 =	vcvt.f32.s32 v0;
	(pc) =	sbr.rel @p0 .LBB2_3-.Ltmp1, $4  }
0x92: {  	v1 =	vcvt.f32.s32 v1  }
0x93: {  	s10 =	sadd.s32 $0x10, s6;
	s6 =	smov.u32 s9;
	v0 =	vshll.u32 v0, $0x1  }
0x94: {  	s9 =	sand.u32 $0x70, s10;
	v0 =	vand.u32 $0xFFFFFFE0, v0;
	v1 =	vshra.s32 v1, $0x4  }
0x95: {  	s7 =	sadd.s32 $0x80, s7;
	s9 =	sor.u32 s9, s11;
	v0 =	vor.u32 v1, v0  }
0x96: {  	s8 =	sshra.s32 s7, $0x2;
	[tilespmem:s9+$0x0] =	vst v0  }
0x97: {  	v0 =	vld [tilespmem:s8+$0x780]  }
0x98: {  	v1 =	vld [tilespmem:s8+$0x280];
	_ =	sdelay $0x3  }
0x99: {  	v0 =	vtrunc.f32 v0  }
0x9a: {  	s16 =	sadd.s32 $0xA00, s7;
	v1 =	vtrunc.f32 v1;
	v0 =	vcvt.f32.s32 v0  }
0x9b: {  	s7 =	sand.u32 $0x1E00, s16;
	v1 =	vcvt.f32.s32 v1  }
0x9c: {  	s7 =	sshrl.u32 s7, $0x2;
	v0 =	vshll.u32 v0, $0x1  }
0x9d: {  	s17 =	sand.u32 $0x60, s6;
	s7 =	sadd.s32 $0xA00, s7;
	v1 =	vshra.s32 v1, $0x4;
	v0 =	vand.u32 $0xFFFFFFE0, v0  }
0x9e: {  	s9 =	sor.u32 s17, s7;
	v0 =	vor.u32 v1, v0  }
0x9f: {  	[tilespmem:s9+$0x0] =	vst v0  }
0xa0: {  	v0 =	vld [tilespmem:s8+$0x790]  }
0xa1: {  	v55 =	vld [tilespmem:s8+$0x290];
	_ =	sdelay $0x3  }
0xa2: {  	v0 =	vtrunc.f32 v0  }
0xa3: {  	v1 =	vtrunc.f32 v55;
	v0 =	vcvt.f32.s32 v0  }
0xa4: {  	v1 =	vcvt.f32.s32 v1  }
0xa5: {  	s18 =	sadd.s32 $0x10, s6;
	v0 =	vshll.u32 v0, $0x1  }
0xa6: {  	s6 =	sand.u32 $0x70, s18;
	v1 =	vshra.s32 v1, $0x4;
	v0 =	vand.u32 $0xFFFFFFE0, v0  }
0xa7: {  	s6 =	sor.u32 s6, s7;
	v0 =	vor.u32 v1, v0  }
0xa8: {  	[tilespmem:s6+$0x0] =	vst v0  }
0xa9: {  	v0 =	vld [tilespmem:$0x500]  }
0xaa: {  	p0 =	sgt.u32 s1, $0x1;
	v56 =	vld [tilespmem:$0x0]  }
0xab: {  	v2 =	vld @!p0 [tilespmem:$0x9E0]  }
0xac: {  	v3 =	vld @!p0 [tilespmem:$0x4E0];
	_ =	sdelay $0x1  }
0xad: {  	v0 =	vtrunc.f32 v0  }
0xae: {  	v1 =	vtrunc.f32 v56;
	v0 =	vcvt.f32.s32 v0  }
0xaf: {  	v2 =	vtrunc.f32 @!p0 v2;
	v1 =	vcvt.f32.s32 v1  }
0xb0: {  	v3 =	vtrunc.f32 @!p0 v3;
	v2 =	vcvt.f32.s32 @!p0 v2;
	v0 =	vshll.u32 v0, $0x1  }
0xb1: {  	v3 =	vcvt.f32.s32 @!p0 v3;
	v1 =	vshra.s32 v1, $0x4;
	v0 =	vand.u32 $0xFFFFFFE0, v0  }
0xb2: {  	v0 =	vor.u32 v1, v0;
	v1 =	vshll.u32 @!p0 v2, $0x1  }
0xb3: {  	v2 =	vshra.s32 @!p0 v3, $0x4;
	[tilespmem:$0xEE0] =	vst v0;
	v1 =	vand.u32 @!p0 $0xFFFFFFE0, v1  }
0xb4: {  	[tilespmem:$0xEF0] =	vst v0;
	v0 =	vor.u32 @!p0 v2, v1  }
0xb5: {  	s19 =	simm.s32 $0x80;
	s20 =	simm.s32 $0xC80;
	s21 =	simm.s32 $0x1200;
	[tilespmem:$0xEE0] =	vst @!p0 v0  }
0xb6: {  	[spmem:s4] =	stream.indirect.scatter.add.f32 [tilespmem:s21], [sflag:$0x1], $0x1, s20, s19, $0xb8;
	[tilespmem:$0x1440] =	vst v63  }
0xb7: {  	s22 =	simm.s32 $0xD00  }
0xb8: {  	[spmem:s4] =	stream.indirect.scatter.add.f32 [tilespmem:s21], [sflag:$0x1], $0x1, s22, s19, $0xb8;
	[tilespmem:$0x1440] =	vst v63  }
0xb9: {  	s23 =	simm.s32 $0xD80  }
0xba: {  	[spmem:s4] =	stream.indirect.scatter.add.f32 [tilespmem:s21], [sflag:$0x1], $0x1, s23, s19, $0xb8;
	[tilespmem:$0x1440] =	vst v63  }
0xbb: {  	s24 =	simm.s32 $0xE00  }
0xbc: {  	[spmem:s4] =	stream.indirect.scatter.add.f32 [tilespmem:s21], [sflag:$0x1], $0x1, s24, s19, $0xb8;
	[tilespmem:$0x1440] =	vst v63  }
0xbd: {  	s25 =	simm.s32 $0xE80;
	s26 =	simm.s32 $0x1  }
0xbe: {  	[spmem:s4] =	stream.indirect.scatter.add.f32 [tilespmem:s21], [sflag:$0x1], $0x1, s25, s19, $0xb8;
	[tilespmem:$0x1440] =	vst v63  }
0xbf: {  	_ =	swait.ge [sflag:s26], $0x500  }
0xc0: {  	[sflag:s26] =	ssyncset.done $0x0  }
0xc1: {  	[sflag:s26] =	ssyncadd.s32 $0xFFFFFB00  }
0xc2: {  	s28 =	simm.s32 $0x1280;
	s29 =	simm.s32 $0x2;
	[bflag:$0x0] =	sbarrier.arrive $0xFFFF  }
0xc3: {  	[tilespmem:s28], [sflag:$0x2] =	stream.linear.gather [spmem:s5], $0x40, $0x38;
	[tilespmem:$0x1440] =	vst v63  }
0xc4: {  	_ =	swait.ge [sflag:s29], $0x40  }
0xc5: {  	[sflag:s29] =	ssyncset.done $0x0  }
0xc6: {  	[sflag:s29] =	ssyncadd.s32 $0xFFFFFFC0  }
0xc7: {  	v57 =	vld [tilespmem:$0x1280]  }
0xc8: {  	v58 =	vld [tilespmem:$0x1300]  }
0xc9: {  	v59 =	vld [tilespmem:$0x1290]  }
0xca: {  	v60 =	vld [tilespmem:$0x1310]  }
0xcb: {  	v4 =	vld [tilespmem:$0x12A0]  }
0xcc: {  	v5 =	vld [tilespmem:$0x1320]  }
0xcd: {  	v6 =	vld [tilespmem:$0x12B0]  }
0xce: {  	v7 =	vld [tilespmem:$0x1330]  }
0xcf: {  	vm0 =	vgt.f32 v57, $0.0e+00  }
0xd0: {  	vm13 =	vgt.f32 v59, $0.0e+00;
	v0 =	vnsel vm0, $0x3F800000, v58  }
0xd1: {  	vm14 =	vgt.f32 v4, $0.0e+00;
	v61 =	vnsel vm13, $0x3F800000, v60;
	[tilespmem:$0x1380] =	vst v0  }
0xd2: {  	vm15 =	vgt.f32 v6, $0.0e+00;
	v62 =	vnsel vm14, $0x3F800000, v5;
	[tilespmem:$0x1390] =	vst v61  }
0xd3: {  	v63 =	vnsel vm15, $0x3F800000, v7;
	[tilespmem:$0x13A0] =	vst v62  }
0xd4: {  	s2 =	sadd.s32 s2, s3;
	s30 =	simm.s32 $0x0;
	s31 =	simm.s32 $0x1380;
	[tilespmem:$0x13B0] =	vst v63  }
0xd5: {  	[hbm4b:s2+s30] =	stream.linear.scatter [tilespmem:s31], [sflag:$0x2], $0x40, $0x38;
	[tilespmem:$0x1440] =	vst v63  }
0xd6: {  	_ =	swait.ge [sflag:s29], $0x40  }
0xd7: {  	[sflag:s29] =	ssyncset.done $0x0  }
0xd8: {  	[sflag:s29] =	ssyncadd.s32 $0xFFFFFFC0  }
0xd9: {  	_ =	sfence.sel $0x180000  }
0xda: {  	[bflag:$0x0] =	sbarrier.arrive $0xFFFF  }
0xdb: {  	p0 =	sne.s32 s1, $0x0;
	_ =	strace $0x90000047  }
0xdc: {  	s0 =	sadd.s32 @!p0 $0x100000, s0;
	[bflag:$0x2] =	sbarrier.arrive $0xFFFF  }
0xdd: {  	[sflag:s0] =	ssyncadd.tile.s32 @!p0 $0x1;
	_ =	shalt  }
.Lfunc_end2:
_tile_overlayer_lowered:
.L_overlay_start_2:
0xde: {  	(tag) =	ssettag $0x2  }
0xdf: {  	s0 =	rddreg [dreg:$0x0];
	s2 =	stileid.u32  }
0xe0: {  	s1 =	rddreg [dreg:$0x1];
	p0 =	sne.s32 s2, $0x0  }
0xe1: {  	s3 =	rddreg [dreg:$0x2];
	[bflag:$0x3] =	sbarrier.arrive $0xFFFF;
	s2 =	simm.s32 @!p0 $0x1C02  }
0xe2: {  	[timem:s3], [sflag:s2] =	dma.local @!p0 [hbm:s0], s1  }
0xe3: {  	s0 =	simm.s32 @!p0 $0x2  }
0xe4: {  	_ =	swait.ge @!p0 [sflag:s0], s1  }
0xe5: {  	s1 =	ssub.s32 @!p0 $0x0, s1;
	[sflag:s0] =	ssyncset.done @!p0 $0x0  }
0xe6: {  	[sflag:s0] =	ssyncadd.s32 @!p0 s1  }
0xe7: {  	[bflag:$0x3] =	sbarrier.arrive $0xFFFF  }
0xe8: {  	_ =	shalt  }

</sc_bundles>
